<compile_context>
chip_gen: v7x
topology: tpu7x:2x2x1
jax: 0.10.2.dev20260603
libtpu: 0.0.44.dev20260713+nightly
codegen_flags: <defaults>
</compile_context>

<pallas_src>
import functools

import jax
import jax.numpy as jnp
from jax import lax
from jax.experimental import pallas as pl
from jax.experimental.pallas import tpu as pltpu
from jax.experimental.pallas import tpu_sc as plsc

VOCAB = 100000
DIM = 32
B = 4096
CTX = 20

NC = 2
NS = 16
NW = NC * NS
BPW = B // NW

BT = 1024
VT = 4096
NB = B // BT
NV = (VOCAB + VT - 1) // VT
VPAD = NV * VT - VOCAB
NLANE = 128
NCH = VT // NLANE


def _tree(op, xs):
    while len(xs) > 1:
        nxt = [op(xs[i], xs[i + 1]) for i in range(0, len(xs) - 1, 2)]
        if len(xs) % 2:
            nxt.append(xs[-1])
        xs = nxt
    return xs[0]


def _sc_gather_body(inputs_t_hbm, target_hbm, emb_hbm, linw_hbm, linb2d_hbm,
                    sum_out, wt_out, bt_out,
                    idx_v, gath_v, sum_v, tgt_v, wt_v, bt_v, sem):
    wid = lax.axis_index("s") * NC + lax.axis_index("c")
    base = wid * BPW

    pltpu.sync_copy(inputs_t_hbm.at[:, pl.ds(base, BPW)], idx_v)

    copies = [
        pltpu.async_copy(emb_hbm.at[idx_v.at[j]], gath_v.at[j], sem)
        for j in range(CTX)
    ]
    for c in copies:
        c.wait()

    def row_body(r, _):
        acc0 = jnp.zeros((16,), jnp.float32)
        acc1 = jnp.zeros((16,), jnp.float32)
        for j in range(CTX):
            acc0 = acc0 + gath_v[j, r, pl.ds(0, 16)]
            acc1 = acc1 + gath_v[j, r, pl.ds(16, 16)]
        sum_v[r, pl.ds(0, 16)] = acc0
        sum_v[r, pl.ds(16, 16)] = acc1
        return 0

    lax.fori_loop(0, BPW, row_body, 0)
    pltpu.sync_copy(sum_v, sum_out.at[pl.ds(base, BPW)])

    pltpu.sync_copy(target_hbm.at[pl.ds(base, BPW)], tgt_v)
    pltpu.async_copy(linw_hbm.at[tgt_v], wt_v, sem).wait()
    pltpu.async_copy(linb2d_hbm.at[tgt_v], bt_v, sem).wait()
    pltpu.sync_copy(wt_v, wt_out.at[pl.ds(base, BPW)])
    pltpu.sync_copy(bt_v, bt_out.at[pl.ds(base, BPW)])


def _make_sc_gather():
    return pl.kernel(
        _sc_gather_body,
        out_type=(
            jax.ShapeDtypeStruct((B, DIM), jnp.float32),
            jax.ShapeDtypeStruct((B, DIM), jnp.float32),
            jax.ShapeDtypeStruct((B, 1), jnp.float32),
        ),
        mesh=plsc.VectorSubcoreMesh(core_axis_name="c", subcore_axis_name="s"),
        scratch_types=(
            pltpu.VMEM((CTX, BPW), jnp.int32),
            pltpu.VMEM((CTX, BPW, DIM), jnp.float32),
            pltpu.VMEM((BPW, DIM), jnp.float32),
            pltpu.VMEM((BPW,), jnp.int32),
            pltpu.VMEM((BPW, DIM), jnp.float32),
            pltpu.VMEM((BPW, 1), jnp.float32),
            pltpu.SemaphoreType.DMA,
        ),
        compiler_params=pltpu.CompilerParams(use_tc_tiling_on_sc=False),
    )


LOG2E = 1.4426950408889634
LN2 = 0.6931471805599453


def _tc_lse_body(se_ref, w_ref, b_ref, wbt_ref, out_ref, m_ref, l_ref,
                 acc_ref):
    bi = pl.program_id(0)
    vi = pl.program_id(1)

    @pl.when(vi == 0)
    def _():
        m_ref[...] = jnp.full((BT, NLANE), -jnp.inf, jnp.bfloat16)
        l_ref[...] = jnp.zeros((BT, NLANE), jnp.float32)

    se = se_ref[...]
    logits2 = lax.dot_general(
        se[:, :DIM], w_ref[...].astype(jnp.bfloat16),
        (((1,), (1,)), ((), ())),
        preferred_element_type=jnp.float32,
    ).astype(jnp.bfloat16)

    m_old = m_ref[...]
    tlim = VOCAB - vi * VT
    iota = lax.broadcasted_iota(jnp.int32, (1, NLANE), 1)
    ninf = jnp.array(-jnp.inf, jnp.bfloat16)
    chunks = []
    macc = m_old
    for j in range(NCH):
        lo = j * NLANE
        c = logits2[:, lo:lo + NLANE] + b_ref[:, lo:lo + NLANE]
        c = jnp.where(iota < tlim - lo, c, ninf)
        chunks.append(c)
        macc = jnp.maximum(macc, c)
    m_new = macc
    s = _tree(lax.add, [jnp.exp2(c - m_new) for c in chunks]).astype(jnp.float32)
    scale = jnp.exp2((m_old - m_new).astype(jnp.float32))
    l_new = l_ref[...] * scale + s
    m_ref[...] = m_new
    l_ref[...] = l_new

    @pl.when(vi == NV - 1)
    def _():
        m32 = m_new.astype(jnp.float32)
        mx = jnp.max(m32, axis=1, keepdims=True)
        lx = jnp.sum(l_new * jnp.exp2(m32 - mx), axis=1, keepdims=True)
        tl2 = jnp.sum(se.astype(jnp.float32) * wbt_ref[...], axis=1,
                      keepdims=True)
        part = jnp.sum((mx - tl2) * LN2 + jnp.log(lx))
        prev = jnp.where(bi == 0, 0.0, acc_ref[0, 0])
        total = prev + part
        acc_ref[0, 0] = total

        @pl.when(bi == NB - 1)
        def _():
            out_ref[...] = jnp.broadcast_to(total / B, (1, 1))


_tc_lse = pl.pallas_call(
    _tc_lse_body,
    grid=(NB, NV),
    in_specs=[
        pl.BlockSpec((BT, DIM + 1), lambda b, v: (b, 0)),
        pl.BlockSpec((VT, DIM), lambda b, v: (v, 0)),
        pl.BlockSpec((1, VT), lambda b, v: (0, v)),
        pl.BlockSpec((BT, DIM + 1), lambda b, v: (b, 0)),
    ],
    out_specs=pl.BlockSpec((1, 1), lambda b, v: (0, 0)),
    out_shape=jax.ShapeDtypeStruct((1, 1), jnp.float32),
    scratch_shapes=[
        pltpu.VMEM((BT, NLANE), jnp.bfloat16),
        pltpu.VMEM((BT, NLANE), jnp.float32),
        pltpu.SMEM((1, 1), jnp.float32),
    ],
)


@jax.jit
def kernel(inputs, target, emb_table, lin_w, lin_b):
    inputs_t = inputs.T.reshape(CTX, B)
    linb2d = lin_b.reshape(VOCAB, 1)

    sum_emb, wt, bt = _make_sc_gather()(inputs_t, target, emb_table, lin_w, linb2d)

    se1 = (jnp.concatenate([sum_emb, jnp.ones((B, 1), jnp.float32)], axis=1)
           * LOG2E).astype(jnp.bfloat16)
    b2 = jnp.pad((lin_b * LOG2E).reshape(1, VOCAB), ((0, 0), (0, VPAD)),
                 constant_values=-1e30).astype(jnp.bfloat16)
    wbt = jnp.concatenate([wt, bt], axis=1)

    loss = _tc_lse(se1, lin_w, b2, wbt)
    return loss[0, 0]

# --- scband reference (transcript-rebuilt; emitter-appended) ---
"""Pipeline reference for scband-cbow-43353399886330 (READ-ONLY COPY).

The authoritative reference and input builder live on the scoring server;
editing this copy changes nothing except your own understanding.
"""

import jax, jax.numpy as jnp
import numpy as np

VOCAB = 100000
DIM = 32
B = 4096
CTX = 20

def setup_inputs(seed: int = 0) -> dict:
    key = jax.random.key(seed)
    k1, k2, k3, k4, k5 = jax.random.split(key, 5)
    inputs = jax.random.randint(k1, (B, CTX), 0, VOCAB, dtype=jnp.int64 if jax.config.jax_enable_x64 else jnp.int32).astype(jnp.int32)
    target = jax.random.randint(k2, (B,), 0, VOCAB).astype(jnp.int32)
    emb_table = jax.random.normal(k3, (VOCAB, DIM), dtype=jnp.float32)
    lin_w = jax.random.normal(k4, (VOCAB, DIM), dtype=jnp.float32) * (1.0 / np.sqrt(DIM))
    lin_b = jax.random.normal(k5, (VOCAB,), dtype=jnp.float32) * 0.01
    return {"inputs": inputs, "target": target, "emb_table": emb_table, "lin_w": lin_w, "lin_b": lin_b}

def reference(inputs, target, emb_table, lin_w, lin_b):
    # nn.Embedding lookup (sparse=True only affects grad repr, same math)
    embedded_input = jnp.take(emb_table, inputs, axis=0)           # [B, CTX, DIM]
    sum_embedding = jnp.sum(embedded_input, axis=1)                # [B, DIM]
    output = sum_embedding @ lin_w.T + lin_b                       # [B, VOCAB]
    log_probs = jax.nn.log_softmax(output, axis=1)                 # F.log_softmax default dim for 2D
    # NLLLoss (mean reduction)
    picked = jnp.take_along_axis(log_probs, target[:, None].astype(jnp.int32), axis=1)[:, 0]
    loss = -jnp.mean(picked)
    return loss

if __name__ == "__main__":
    import jax
    _d = setup_inputs()
    print(jax.jit(kernel)(*tuple(_d.values())))

</pallas_src>

<mosaic_0001>
#map = affine_map<(d0, d1) -> (0, 0)>
#map1 = affine_map<(d0, d1) -> (0)>
module attributes {stable_mosaic.version = 14 : i64} {
  func.func @_sc_gather_body(%arg0: i32, %arg1: i32, %arg2: memref<20x4096xi32, #tpu.memory_space<hbm>>, %arg3: memref<4096xi32, #tpu.memory_space<hbm>>, %arg4: memref<100000x32xf32, #tpu.memory_space<hbm>>, %arg5: memref<100000x32xf32, #tpu.memory_space<hbm>>, %arg6: memref<100000x1xf32, #tpu.memory_space<hbm>>, %arg7: memref<4096x32xf32, #tpu.memory_space<hbm>>, %arg8: memref<4096x32xf32, #tpu.memory_space<hbm>>, %arg9: memref<4096x1xf32, #tpu.memory_space<hbm>>, %arg10: memref<20x128xi32, #tpu.memory_space<vmem>>, %arg11: memref<20x128x32xf32, #tpu.memory_space<vmem>>, %arg12: memref<128x32xf32, #tpu.memory_space<vmem>>, %arg13: memref<128xi32, #tpu.memory_space<vmem>>, %arg14: memref<128x32xf32, #tpu.memory_space<vmem>>, %arg15: memref<128x1xf32, #tpu.memory_space<vmem>>, %arg16: memref<!tpu.dma_semaphore, #tpu.memory_space<semaphore_mem>>) attributes {dimension_semantics = [#tpu.dimension_semantics<core_parallel>, #tpu.dimension_semantics<subcore_parallel>], iteration_bounds = array<i64: 2, 16>, scalar_prefetch = 0 : i64, scratch_operands = 7 : i64, tpu.core_type = #tpu.core_type<sc_vector_subcore>, window_params = [{transform_indices = #map}, {transform_indices = #map1}, {transform_indices = #map}, {transform_indices = #map}, {transform_indices = #map}, {transform_indices = #map}, {transform_indices = #map}, {transform_indices = #map}]} {
    %mul3A = arith.constant 2 : i32
    %mul3A_0 = arith.muli %arg1, %mul3A : i32
    %add3A = arith.addi %mul3A_0, %arg0 : i32
    %mul3A_1 = arith.constant 128 : i32
    %mul3A_2 = arith.muli %add3A, %mul3A_1 : i32
    "tpu.region"() ({
      %run_scoped3A = tpu.sem_alloc : memref<!tpu.dma_semaphore, #tpu.memory_space<semaphore_mem>>
      %dma_start3A_499 = arith.constant 0 : i32
      %dma_start3A_500 = tpu.memref_slice %arg2[%dma_start3A_499, %mul3A_2] : memref<20x4096xi32, #tpu.memory_space<hbm>> -> memref<20x128xi32, #tpu.memory_space<hbm>>
      %dma_start3A_501 = arith.constant 0 : i32
      %dma_start3A_502 = tpu.memref_slice %arg2[%dma_start3A_501, %mul3A_2] : memref<20x4096xi32, #tpu.memory_space<hbm>> -> memref<20x128xi32, #tpu.memory_space<hbm>>
      tpu.enqueue_dma source(%dma_start3A_502 : memref<20x128xi32, #tpu.memory_space<hbm>>) target(%arg10 : memref<20x128xi32, #tpu.memory_space<vmem>>) target_semaphore(%run_scoped3A : memref<!tpu.dma_semaphore, #tpu.memory_space<semaphore_mem>>)
      %dma_wait3A_503 = arith.constant 0 : i32
      %dma_wait3A_504 = tpu.memref_slice %arg2[%dma_wait3A_503, %mul3A_2] : memref<20x4096xi32, #tpu.memory_space<hbm>> -> memref<20x128xi32, #tpu.memory_space<hbm>>
      %dma_wait3A_505 = arith.constant 0 : i32
      %dma_wait3A_506 = tpu.memref_slice %arg2[%dma_wait3A_505, %mul3A_2] : memref<20x4096xi32, #tpu.memory_space<hbm>> -> memref<20x128xi32, #tpu.memory_space<hbm>>
      tpu.wait_dma2 semaphore(%run_scoped3A : memref<!tpu.dma_semaphore, #tpu.memory_space<semaphore_mem>>) src(%dma_wait3A_506 : memref<20x128xi32, #tpu.memory_space<hbm>>) dst(%arg10 : memref<20x128xi32, #tpu.memory_space<vmem>>)
      tpu.yield
    }) : () -> ()
    %dma_start3A = arith.constant 0 : i32
    %dma_start3A_3 = arith.constant 0 : i32
    %dma_start3A_4 = arith.constant 0 : i32
    %dma_start3A_5 = arith.constant 0 : i32
    %dma_start3A_6 = tpu.memref_slice %arg11[%dma_start3A_3, %dma_start3A_4, %dma_start3A_5] : memref<20x128x32xf32, #tpu.memory_space<vmem>> -> memref<1x128x32xf32, #tpu.memory_space<vmem>>
    %dma_start3A_7 = tpu.memref_squeeze %dma_start3A_6 : memref<1x128x32xf32, #tpu.memory_space<vmem>> -> memref<128x32xf32, #tpu.memory_space<vmem>>
    %dma_start3A_8 = arith.constant 0 : i32
    %dma_start3A_9 = tpu.memref_slice %arg10[%dma_start3A, %dma_start3A_8] : memref<20x128xi32, #tpu.memory_space<vmem>> -> memref<1x128xi32, #tpu.memory_space<vmem>>
    %dma_start3A_10 = tpu.memref_squeeze %dma_start3A_9 : memref<1x128xi32, #tpu.memory_space<vmem>> -> memref<128xi32, #tpu.memory_space<vmem>>
    %dma_start3A_11 = arith.constant 0 : i32
    %dma_start3A_12 = arith.constant 0 : i32
    %dma_start3A_13 = tpu.memref_slice %arg4[%dma_start3A_11, %dma_start3A_12] : memref<100000x32xf32, #tpu.memory_space<hbm>> -> memref<100000x32xf32, #tpu.memory_space<hbm>>
    tpu.enqueue_indirect_dma source(%dma_start3A_13 : memref<100000x32xf32, #tpu.memory_space<hbm>>) target(%dma_start3A_7 : memref<128x32xf32, #tpu.memory_space<vmem>>) offsets(%dma_start3A_10 : memref<128xi32, #tpu.memory_space<vmem>>) semaphore(%arg16 : memref<!tpu.dma_semaphore, #tpu.memory_space<semaphore_mem>>)
    %dma_start3A_14 = arith.constant 1 : i32
    %dma_start3A_15 = arith.constant 1 : i32
    %dma_start3A_16 = arith.constant 0 : i32
    %dma_start3A_17 = arith.constant 0 : i32
    %dma_start3A_18 = tpu.memref_slice %arg11[%dma_start3A_15, %dma_start3A_16, %dma_start3A_17] : memref<20x128x32xf32, #tpu.memory_space<vmem>> -> memref<1x128x32xf32, #tpu.memory_space<vmem>>
    %dma_start3A_19 = tpu.memref_squeeze %dma_start3A_18 : memref<1x128x32xf32, #tpu.memory_space<vmem>> -> memref<128x32xf32, #tpu.memory_space<vmem>>
    %dma_start3A_20 = arith.constant 0 : i32
    %dma_start3A_21 = tpu.memref_slice %arg10[%dma_start3A_14, %dma_start3A_20] : memref<20x128xi32, #tpu.memory_space<vmem>> -> memref<1x128xi32, #tpu.memory_space<vmem>>
    %dma_start3A_22 = tpu.memref_squeeze %dma_start3A_21 : memref<1x128xi32, #tpu.memory_space<vmem>> -> memref<128xi32, #tpu.memory_space<vmem>>
    %dma_start3A_23 = arith.constant 0 : i32
    %dma_start3A_24 = arith.constant 0 : i32
    %dma_start3A_25 = tpu.memref_slice %arg4[%dma_start3A_23, %dma_start3A_24] : memref<100000x32xf32, #tpu.memory_space<hbm>> -> memref<100000x32xf32, #tpu.memory_space<hbm>>
    tpu.enqueue_indirect_dma source(%dma_start3A_25 : memref<100000x32xf32, #tpu.memory_space<hbm>>) target(%dma_start3A_19 : memref<128x32xf32, #tpu.memory_space<vmem>>) offsets(%dma_start3A_22 : memref<128xi32, #tpu.memory_space<vmem>>) semaphore(%arg16 : memref<!tpu.dma_semaphore, #tpu.memory_space<semaphore_mem>>)
    %dma_start3A_26 = arith.constant 2 : i32
    %dma_start3A_27 = arith.constant 2 : i32
    %dma_start3A_28 = arith.constant 0 : i32
    %dma_start3A_29 = arith.constant 0 : i32
    %dma_start3A_30 = tpu.memref_slice %arg11[%dma_start3A_27, %dma_start3A_28, %dma_start3A_29] : memref<20x128x32xf32, #tpu.memory_space<vmem>> -> memref<1x128x32xf32, #tpu.memory_space<vmem>>
    %dma_start3A_31 = tpu.memref_squeeze %dma_start3A_30 : memref<1x128x32xf32, #tpu.memory_space<vmem>> -> memref<128x32xf32, #tpu.memory_space<vmem>>
    %dma_start3A_32 = arith.constant 0 : i32
    %dma_start3A_33 = tpu.memref_slice %arg10[%dma_start3A_26, %dma_start3A_32] : memref<20x128xi32, #tpu.memory_space<vmem>> -> memref<1x128xi32, #tpu.memory_space<vmem>>
    %dma_start3A_34 = tpu.memref_squeeze %dma_start3A_33 : memref<1x128xi32, #tpu.memory_space<vmem>> -> memref<128xi32, #tpu.memory_space<vmem>>
    %dma_start3A_35 = arith.constant 0 : i32
    %dma_start3A_36 = arith.constant 0 : i32
    %dma_start3A_37 = tpu.memref_slice %arg4[%dma_start3A_35, %dma_start3A_36] : memref<100000x32xf32, #tpu.memory_space<hbm>> -> memref<100000x32xf32, #tpu.memory_space<hbm>>
    tpu.enqueue_indirect_dma source(%dma_start3A_37 : memref<100000x32xf32, #tpu.memory_space<hbm>>) target(%dma_start3A_31 : memref<128x32xf32, #tpu.memory_space<vmem>>) offsets(%dma_start3A_34 : memref<128xi32, #tpu.memory_space<vmem>>) semaphore(%arg16 : memref<!tpu.dma_semaphore, #tpu.memory_space<semaphore_mem>>)
    %dma_start3A_38 = arith.constant 3 : i32
    %dma_start3A_39 = arith.constant 3 : i32
    %dma_start3A_40 = arith.constant 0 : i32
    %dma_start3A_41 = arith.constant 0 : i32
    %dma_start3A_42 = tpu.memref_slice %arg11[%dma_start3A_39, %dma_start3A_40, %dma_start3A_41] : memref<20x128x32xf32, #tpu.memory_space<vmem>> -> memref<1x128x32xf32, #tpu.memory_space<vmem>>
    %dma_start3A_43 = tpu.memref_squeeze %dma_start3A_42 : memref<1x128x32xf32, #tpu.memory_space<vmem>> -> memref<128x32xf32, #tpu.memory_space<vmem>>
    %dma_start3A_44 = arith.constant 0 : i32
    %dma_start3A_45 = tpu.memref_slice %arg10[%dma_start3A_38, %dma_start3A_44] : memref<20x128xi32, #tpu.memory_space<vmem>> -> memref<1x128xi32, #tpu.memory_space<vmem>>
    %dma_start3A_46 = tpu.memref_squeeze %dma_start3A_45 : memref<1x128xi32, #tpu.memory_space<vmem>> -> memref<128xi32, #tpu.memory_space<vmem>>
    %dma_start3A_47 = arith.constant 0 : i32
    %dma_start3A_48 = arith.constant 0 : i32
    %dma_start3A_49 = tpu.memref_slice %arg4[%dma_start3A_47, %dma_start3A_48] : memref<100000x32xf32, #tpu.memory_space<hbm>> -> memref<100000x32xf32, #tpu.memory_space<hbm>>
    tpu.enqueue_indirect_dma source(%dma_start3A_49 : memref<100000x32xf32, #tpu.memory_space<hbm>>) target(%dma_start3A_43 : memref<128x32xf32, #tpu.memory_space<vmem>>) offsets(%dma_start3A_46 : memref<128xi32, #tpu.memory_space<vmem>>) semaphore(%arg16 : memref<!tpu.dma_semaphore, #tpu.memory_space<semaphore_mem>>)
    %dma_start3A_50 = arith.constant 4 : i32
    %dma_start3A_51 = arith.constant 4 : i32
    %dma_start3A_52 = arith.constant 0 : i32
    %dma_start3A_53 = arith.constant 0 : i32
    %dma_start3A_54 = tpu.memref_slice %arg11[%dma_start3A_51, %dma_start3A_52, %dma_start3A_53] : memref<20x128x32xf32, #tpu.memory_space<vmem>> -> memref<1x128x32xf32, #tpu.memory_space<vmem>>
    %dma_start3A_55 = tpu.memref_squeeze %dma_start3A_54 : memref<1x128x32xf32, #tpu.memory_space<vmem>> -> memref<128x32xf32, #tpu.memory_space<vmem>>
    %dma_start3A_56 = arith.constant 0 : i32
    %dma_start3A_57 = tpu.memref_slice %arg10[%dma_start3A_50, %dma_start3A_56] : memref<20x128xi32, #tpu.memory_space<vmem>> -> memref<1x128xi32, #tpu.memory_space<vmem>>
    %dma_start3A_58 = tpu.memref_squeeze %dma_start3A_57 : memref<1x128xi32, #tpu.memory_space<vmem>> -> memref<128xi32, #tpu.memory_space<vmem>>
    %dma_start3A_59 = arith.constant 0 : i32
    %dma_start3A_60 = arith.constant 0 : i32
    %dma_start3A_61 = tpu.memref_slice %arg4[%dma_start3A_59, %dma_start3A_60] : memref<100000x32xf32, #tpu.memory_space<hbm>> -> memref<100000x32xf32, #tpu.memory_space<hbm>>
    tpu.enqueue_indirect_dma source(%dma_start3A_61 : memref<100000x32xf32, #tpu.memory_space<hbm>>) target(%dma_start3A_55 : memref<128x32xf32, #tpu.memory_space<vmem>>) offsets(%dma_start3A_58 : memref<128xi32, #tpu.memory_space<vmem>>) semaphore(%arg16 : memref<!tpu.dma_semaphore, #tpu.memory_space<semaphore_mem>>)
    %dma_start3A_62 = arith.constant 5 : i32
    %dma_start3A_63 = arith.constant 5 : i32
    %dma_start3A_64 = arith.constant 0 : i32
    %dma_start3A_65 = arith.constant 0 : i32
    %dma_start3A_66 = tpu.memref_slice %arg11[%dma_start3A_63, %dma_start3A_64, %dma_start3A_65] : memref<20x128x32xf32, #tpu.memory_space<vmem>> -> memref<1x128x32xf32, #tpu.memory_space<vmem>>
    %dma_start3A_67 = tpu.memref_squeeze %dma_start3A_66 : memref<1x128x32xf32, #tpu.memory_space<vmem>> -> memref<128x32xf32, #tpu.memory_space<vmem>>
    %dma_start3A_68 = arith.constant 0 : i32
    %dma_start3A_69 = tpu.memref_slice %arg10[%dma_start3A_62, %dma_start3A_68] : memref<20x128xi32, #tpu.memory_space<vmem>> -> memref<1x128xi32, #tpu.memory_space<vmem>>
    %dma_start3A_70 = tpu.memref_squeeze %dma_start3A_69 : memref<1x128xi32, #tpu.memory_space<vmem>> -> memref<128xi32, #tpu.memory_space<vmem>>
    %dma_start3A_71 = arith.constant 0 : i32
    %dma_start3A_72 = arith.constant 0 : i32
    %dma_start3A_73 = tpu.memref_slice %arg4[%dma_start3A_71, %dma_start3A_72] : memref<100000x32xf32, #tpu.memory_space<hbm>> -> memref<100000x32xf32, #tpu.memory_space<hbm>>
    tpu.enqueue_indirect_dma source(%dma_start3A_73 : memref<100000x32xf32, #tpu.memory_space<hbm>>) target(%dma_start3A_67 : memref<128x32xf32, #tpu.memory_space<vmem>>) offsets(%dma_start3A_70 : memref<128xi32, #tpu.memory_space<vmem>>) semaphore(%arg16 : memref<!tpu.dma_semaphore, #tpu.memory_space<semaphore_mem>>)
    %dma_start3A_74 = arith.constant 6 : i32
    %dma_start3A_75 = arith.constant 6 : i32
    %dma_start3A_76 = arith.constant 0 : i32
    %dma_start3A_77 = arith.constant 0 : i32
    %dma_start3A_78 = tpu.memref_slice %arg11[%dma_start3A_75, %dma_start3A_76, %dma_start3A_77] : memref<20x128x32xf32, #tpu.memory_space<vmem>> -> memref<1x128x32xf32, #tpu.memory_space<vmem>>
    %dma_start3A_79 = tpu.memref_squeeze %dma_start3A_78 : memref<1x128x32xf32, #tpu.memory_space<vmem>> -> memref<128x32xf32, #tpu.memory_space<vmem>>
    %dma_start3A_80 = arith.constant 0 : i32
    %dma_start3A_81 = tpu.memref_slice %arg10[%dma_start3A_74, %dma_start3A_80] : memref<20x128xi32, #tpu.memory_space<vmem>> -> memref<1x128xi32, #tpu.memory_space<vmem>>
    %dma_start3A_82 = tpu.memref_squeeze %dma_start3A_81 : memref<1x128xi32, #tpu.memory_space<vmem>> -> memref<128xi32, #tpu.memory_space<vmem>>
    %dma_start3A_83 = arith.constant 0 : i32
    %dma_start3A_84 = arith.constant 0 : i32
    %dma_start3A_85 = tpu.memref_slice %arg4[%dma_start3A_83, %dma_start3A_84] : memref<100000x32xf32, #tpu.memory_space<hbm>> -> memref<100000x32xf32, #tpu.memory_space<hbm>>
    tpu.enqueue_indirect_dma source(%dma_start3A_85 : memref<100000x32xf32, #tpu.memory_space<hbm>>) target(%dma_start3A_79 : memref<128x32xf32, #tpu.memory_space<vmem>>) offsets(%dma_start3A_82 : memref<128xi32, #tpu.memory_space<vmem>>) semaphore(%arg16 : memref<!tpu.dma_semaphore, #tpu.memory_space<semaphore_mem>>)
    %dma_start3A_86 = arith.constant 7 : i32
    %dma_start3A_87 = arith.constant 7 : i32
    %dma_start3A_88 = arith.constant 0 : i32
    %dma_start3A_89 = arith.constant 0 : i32
    %dma_start3A_90 = tpu.memref_slice %arg11[%dma_start3A_87, %dma_start3A_88, %dma_start3A_89] : memref<20x128x32xf32, #tpu.memory_space<vmem>> -> memref<1x128x32xf32, #tpu.memory_space<vmem>>
    %dma_start3A_91 = tpu.memref_squeeze %dma_start3A_90 : memref<1x128x32xf32, #tpu.memory_space<vmem>> -> memref<128x32xf32, #tpu.memory_space<vmem>>
    %dma_start3A_92 = arith.constant 0 : i32
    %dma_start3A_93 = tpu.memref_slice %arg10[%dma_start3A_86, %dma_start3A_92] : memref<20x128xi32, #tpu.memory_space<vmem>> -> memref<1x128xi32, #tpu.memory_space<vmem>>
    %dma_start3A_94 = tpu.memref_squeeze %dma_start3A_93 : memref<1x128xi32, #tpu.memory_space<vmem>> -> memref<128xi32, #tpu.memory_space<vmem>>
    %dma_start3A_95 = arith.constant 0 : i32
    %dma_start3A_96 = arith.constant 0 : i32
    %dma_start3A_97 = tpu.memref_slice %arg4[%dma_start3A_95, %dma_start3A_96] : memref<100000x32xf32, #tpu.memory_space<hbm>> -> memref<100000x32xf32, #tpu.memory_space<hbm>>
    tpu.enqueue_indirect_dma source(%dma_start3A_97 : memref<100000x32xf32, #tpu.memory_space<hbm>>) target(%dma_start3A_91 : memref<128x32xf32, #tpu.memory_space<vmem>>) offsets(%dma_start3A_94 : memref<128xi32, #tpu.memory_space<vmem>>) semaphore(%arg16 : memref<!tpu.dma_semaphore, #tpu.memory_space<semaphore_mem>>)
    %dma_start3A_98 = arith.constant 8 : i32
    %dma_start3A_99 = arith.constant 8 : i32
    %dma_start3A_100 = arith.constant 0 : i32
    %dma_start3A_101 = arith.constant 0 : i32
    %dma_start3A_102 = tpu.memref_slice %arg11[%dma_start3A_99, %dma_start3A_100, %dma_start3A_101] : memref<20x128x32xf32, #tpu.memory_space<vmem>> -> memref<1x128x32xf32, #tpu.memory_space<vmem>>
    %dma_start3A_103 = tpu.memref_squeeze %dma_start3A_102 : memref<1x128x32xf32, #tpu.memory_space<vmem>> -> memref<128x32xf32, #tpu.memory_space<vmem>>
    %dma_start3A_104 = arith.constant 0 : i32
    %dma_start3A_105 = tpu.memref_slice %arg10[%dma_start3A_98, %dma_start3A_104] : memref<20x128xi32, #tpu.memory_space<vmem>> -> memref<1x128xi32, #tpu.memory_space<vmem>>
    %dma_start3A_106 = tpu.memref_squeeze %dma_start3A_105 : memref<1x128xi32, #tpu.memory_space<vmem>> -> memref<128xi32, #tpu.memory_space<vmem>>
    %dma_start3A_107 = arith.constant 0 : i32
    %dma_start3A_108 = arith.constant 0 : i32
    %dma_start3A_109 = tpu.memref_slice %arg4[%dma_start3A_107, %dma_start3A_108] : memref<100000x32xf32, #tpu.memory_space<hbm>> -> memref<100000x32xf32, #tpu.memory_space<hbm>>
    tpu.enqueue_indirect_dma source(%dma_start3A_109 : memref<100000x32xf32, #tpu.memory_space<hbm>>) target(%dma_start3A_103 : memref<128x32xf32, #tpu.memory_space<vmem>>) offsets(%dma_start3A_106 : memref<128xi32, #tpu.memory_space<vmem>>) semaphore(%arg16 : memref<!tpu.dma_semaphore, #tpu.memory_space<semaphore_mem>>)
    %dma_start3A_110 = arith.constant 9 : i32
    %dma_start3A_111 = arith.constant 9 : i32
    %dma_start3A_112 = arith.constant 0 : i32
    %dma_start3A_113 = arith.constant 0 : i32
    %dma_start3A_114 = tpu.memref_slice %arg11[%dma_start3A_111, %dma_start3A_112, %dma_start3A_113] : memref<20x128x32xf32, #tpu.memory_space<vmem>> -> memref<1x128x32xf32, #tpu.memory_space<vmem>>
    %dma_start3A_115 = tpu.memref_squeeze %dma_start3A_114 : memref<1x128x32xf32, #tpu.memory_space<vmem>> -> memref<128x32xf32, #tpu.memory_space<vmem>>
    %dma_start3A_116 = arith.constant 0 : i32
    %dma_start3A_117 = tpu.memref_slice %arg10[%dma_start3A_110, %dma_start3A_116] : memref<20x128xi32, #tpu.memory_space<vmem>> -> memref<1x128xi32, #tpu.memory_space<vmem>>
    %dma_start3A_118 = tpu.memref_squeeze %dma_start3A_117 : memref<1x128xi32, #tpu.memory_space<vmem>> -> memref<128xi32, #tpu.memory_space<vmem>>
    %dma_start3A_119 = arith.constant 0 : i32
    %dma_start3A_120 = arith.constant 0 : i32
    %dma_start3A_121 = tpu.memref_slice %arg4[%dma_start3A_119, %dma_start3A_120] : memref<100000x32xf32, #tpu.memory_space<hbm>> -> memref<100000x32xf32, #tpu.memory_space<hbm>>
    tpu.enqueue_indirect_dma source(%dma_start3A_121 : memref<100000x32xf32, #tpu.memory_space<hbm>>) target(%dma_start3A_115 : memref<128x32xf32, #tpu.memory_space<vmem>>) offsets(%dma_start3A_118 : memref<128xi32, #tpu.memory_space<vmem>>) semaphore(%arg16 : memref<!tpu.dma_semaphore, #tpu.memory_space<semaphore_mem>>)
    %dma_start3A_122 = arith.constant 10 : i32
    %dma_start3A_123 = arith.constant 10 : i32
    %dma_start3A_124 = arith.constant 0 : i32
    %dma_start3A_125 = arith.constant 0 : i32
    %dma_start3A_126 = tpu.memref_slice %arg11[%dma_start3A_123, %dma_start3A_124, %dma_start3A_125] : memref<20x128x32xf32, #tpu.memory_space<vmem>> -> memref<1x128x32xf32, #tpu.memory_space<vmem>>
    %dma_start3A_127 = tpu.memref_squeeze %dma_start3A_126 : memref<1x128x32xf32, #tpu.memory_space<vmem>> -> memref<128x32xf32, #tpu.memory_space<vmem>>
    %dma_start3A_128 = arith.constant 0 : i32
    %dma_start3A_129 = tpu.memref_slice %arg10[%dma_start3A_122, %dma_start3A_128] : memref<20x128xi32, #tpu.memory_space<vmem>> -> memref<1x128xi32, #tpu.memory_space<vmem>>
    %dma_start3A_130 = tpu.memref_squeeze %dma_start3A_129 : memref<1x128xi32, #tpu.memory_space<vmem>> -> memref<128xi32, #tpu.memory_space<vmem>>
    %dma_start3A_131 = arith.constant 0 : i32
    %dma_start3A_132 = arith.constant 0 : i32
    %dma_start3A_133 = tpu.memref_slice %arg4[%dma_start3A_131, %dma_start3A_132] : memref<100000x32xf32, #tpu.memory_space<hbm>> -> memref<100000x32xf32, #tpu.memory_space<hbm>>
    tpu.enqueue_indirect_dma source(%dma_start3A_133 : memref<100000x32xf32, #tpu.memory_space<hbm>>) target(%dma_start3A_127 : memref<128x32xf32, #tpu.memory_space<vmem>>) offsets(%dma_start3A_130 : memref<128xi32, #tpu.memory_space<vmem>>) semaphore(%arg16 : memref<!tpu.dma_semaphore, #tpu.memory_space<semaphore_mem>>)
    %dma_start3A_134 = arith.constant 11 : i32
    %dma_start3A_135 = arith.constant 11 : i32
    %dma_start3A_136 = arith.constant 0 : i32
    %dma_start3A_137 = arith.constant 0 : i32
    %dma_start3A_138 = tpu.memref_slice %arg11[%dma_start3A_135, %dma_start3A_136, %dma_start3A_137] : memref<20x128x32xf32, #tpu.memory_space<vmem>> -> memref<1x128x32xf32, #tpu.memory_space<vmem>>
    %dma_start3A_139 = tpu.memref_squeeze %dma_start3A_138 : memref<1x128x32xf32, #tpu.memory_space<vmem>> -> memref<128x32xf32, #tpu.memory_space<vmem>>
    %dma_start3A_140 = arith.constant 0 : i32
    %dma_start3A_141 = tpu.memref_slice %arg10[%dma_start3A_134, %dma_start3A_140] : memref<20x128xi32, #tpu.memory_space<vmem>> -> memref<1x128xi32, #tpu.memory_space<vmem>>
    %dma_start3A_142 = tpu.memref_squeeze %dma_start3A_141 : memref<1x128xi32, #tpu.memory_space<vmem>> -> memref<128xi32, #tpu.memory_space<vmem>>
    %dma_start3A_143 = arith.constant 0 : i32
    %dma_start3A_144 = arith.constant 0 : i32
    %dma_start3A_145 = tpu.memref_slice %arg4[%dma_start3A_143, %dma_start3A_144] : memref<100000x32xf32, #tpu.memory_space<hbm>> -> memref<100000x32xf32, #tpu.memory_space<hbm>>
    tpu.enqueue_indirect_dma source(%dma_start3A_145 : memref<100000x32xf32, #tpu.memory_space<hbm>>) target(%dma_start3A_139 : memref<128x32xf32, #tpu.memory_space<vmem>>) offsets(%dma_start3A_142 : memref<128xi32, #tpu.memory_space<vmem>>) semaphore(%arg16 : memref<!tpu.dma_semaphore, #tpu.memory_space<semaphore_mem>>)
    %dma_start3A_146 = arith.constant 12 : i32
    %dma_start3A_147 = arith.constant 12 : i32
    %dma_start3A_148 = arith.constant 0 : i32
    %dma_start3A_149 = arith.constant 0 : i32
    %dma_start3A_150 = tpu.memref_slice %arg11[%dma_start3A_147, %dma_start3A_148, %dma_start3A_149] : memref<20x128x32xf32, #tpu.memory_space<vmem>> -> memref<1x128x32xf32, #tpu.memory_space<vmem>>
    %dma_start3A_151 = tpu.memref_squeeze %dma_start3A_150 : memref<1x128x32xf32, #tpu.memory_space<vmem>> -> memref<128x32xf32, #tpu.memory_space<vmem>>
    %dma_start3A_152 = arith.constant 0 : i32
    %dma_start3A_153 = tpu.memref_slice %arg10[%dma_start3A_146, %dma_start3A_152] : memref<20x128xi32, #tpu.memory_space<vmem>> -> memref<1x128xi32, #tpu.memory_space<vmem>>
    %dma_start3A_154 = tpu.memref_squeeze %dma_start3A_153 : memref<1x128xi32, #tpu.memory_space<vmem>> -> memref<128xi32, #tpu.memory_space<vmem>>
    %dma_start3A_155 = arith.constant 0 : i32
    %dma_start3A_156 = arith.constant 0 : i32
    %dma_start3A_157 = tpu.memref_slice %arg4[%dma_start3A_155, %dma_start3A_156] : memref<100000x32xf32, #tpu.memory_space<hbm>> -> memref<100000x32xf32, #tpu.memory_space<hbm>>
    tpu.enqueue_indirect_dma source(%dma_start3A_157 : memref<100000x32xf32, #tpu.memory_space<hbm>>) target(%dma_start3A_151 : memref<128x32xf32, #tpu.memory_space<vmem>>) offsets(%dma_start3A_154 : memref<128xi32, #tpu.memory_space<vmem>>) semaphore(%arg16 : memref<!tpu.dma_semaphore, #tpu.memory_space<semaphore_mem>>)
    %dma_start3A_158 = arith.constant 13 : i32
    %dma_start3A_159 = arith.constant 13 : i32
    %dma_start3A_160 = arith.constant 0 : i32
    %dma_start3A_161 = arith.constant 0 : i32
    %dma_start3A_162 = tpu.memref_slice %arg11[%dma_start3A_159, %dma_start3A_160, %dma_start3A_161] : memref<20x128x32xf32, #tpu.memory_space<vmem>> -> memref<1x128x32xf32, #tpu.memory_space<vmem>>
    %dma_start3A_163 = tpu.memref_squeeze %dma_start3A_162 : memref<1x128x32xf32, #tpu.memory_space<vmem>> -> memref<128x32xf32, #tpu.memory_space<vmem>>
    %dma_start3A_164 = arith.constant 0 : i32
    %dma_start3A_165 = tpu.memref_slice %arg10[%dma_start3A_158, %dma_start3A_164] : memref<20x128xi32, #tpu.memory_space<vmem>> -> memref<1x128xi32, #tpu.memory_space<vmem>>
    %dma_start3A_166 = tpu.memref_squeeze %dma_start3A_165 : memref<1x128xi32, #tpu.memory_space<vmem>> -> memref<128xi32, #tpu.memory_space<vmem>>
    %dma_start3A_167 = arith.constant 0 : i32
    %dma_start3A_168 = arith.constant 0 : i32
    %dma_start3A_169 = tpu.memref_slice %arg4[%dma_start3A_167, %dma_start3A_168] : memref<100000x32xf32, #tpu.memory_space<hbm>> -> memref<100000x32xf32, #tpu.memory_space<hbm>>
    tpu.enqueue_indirect_dma source(%dma_start3A_169 : memref<100000x32xf32, #tpu.memory_space<hbm>>) target(%dma_start3A_163 : memref<128x32xf32, #tpu.memory_space<vmem>>) offsets(%dma_start3A_166 : memref<128xi32, #tpu.memory_space<vmem>>) semaphore(%arg16 : memref<!tpu.dma_semaphore, #tpu.memory_space<semaphore_mem>>)
    %dma_start3A_170 = arith.constant 14 : i32
    %dma_start3A_171 = arith.constant 14 : i32
    %dma_start3A_172 = arith.constant 0 : i32
    %dma_start3A_173 = arith.constant 0 : i32
    %dma_start3A_174 = tpu.memref_slice %arg11[%dma_start3A_171, %dma_start3A_172, %dma_start3A_173] : memref<20x128x32xf32, #tpu.memory_space<vmem>> -> memref<1x128x32xf32, #tpu.memory_space<vmem>>
    %dma_start3A_175 = tpu.memref_squeeze %dma_start3A_174 : memref<1x128x32xf32, #tpu.memory_space<vmem>> -> memref<128x32xf32, #tpu.memory_space<vmem>>
    %dma_start3A_176 = arith.constant 0 : i32
    %dma_start3A_177 = tpu.memref_slice %arg10[%dma_start3A_170, %dma_start3A_176] : memref<20x128xi32, #tpu.memory_space<vmem>> -> memref<1x128xi32, #tpu.memory_space<vmem>>
    %dma_start3A_178 = tpu.memref_squeeze %dma_start3A_177 : memref<1x128xi32, #tpu.memory_space<vmem>> -> memref<128xi32, #tpu.memory_space<vmem>>
    %dma_start3A_179 = arith.constant 0 : i32
    %dma_start3A_180 = arith.constant 0 : i32
    %dma_start3A_181 = tpu.memref_slice %arg4[%dma_start3A_179, %dma_start3A_180] : memref<100000x32xf32, #tpu.memory_space<hbm>> -> memref<100000x32xf32, #tpu.memory_space<hbm>>
    tpu.enqueue_indirect_dma source(%dma_start3A_181 : memref<100000x32xf32, #tpu.memory_space<hbm>>) target(%dma_start3A_175 : memref<128x32xf32, #tpu.memory_space<vmem>>) offsets(%dma_start3A_178 : memref<128xi32, #tpu.memory_space<vmem>>) semaphore(%arg16 : memref<!tpu.dma_semaphore, #tpu.memory_space<semaphore_mem>>)
    %dma_start3A_182 = arith.constant 15 : i32
    %dma_start3A_183 = arith.constant 15 : i32
    %dma_start3A_184 = arith.constant 0 : i32
    %dma_start3A_185 = arith.constant 0 : i32
    %dma_start3A_186 = tpu.memref_slice %arg11[%dma_start3A_183, %dma_start3A_184, %dma_start3A_185] : memref<20x128x32xf32, #tpu.memory_space<vmem>> -> memref<1x128x32xf32, #tpu.memory_space<vmem>>
    %dma_start3A_187 = tpu.memref_squeeze %dma_start3A_186 : memref<1x128x32xf32, #tpu.memory_space<vmem>> -> memref<128x32xf32, #tpu.memory_space<vmem>>
    %dma_start3A_188 = arith.constant 0 : i32
    %dma_start3A_189 = tpu.memref_slice %arg10[%dma_start3A_182, %dma_start3A_188] : memref<20x128xi32, #tpu.memory_space<vmem>> -> memref<1x128xi32, #tpu.memory_space<vmem>>
    %dma_start3A_190 = tpu.memref_squeeze %dma_start3A_189 : memref<1x128xi32, #tpu.memory_space<vmem>> -> memref<128xi32, #tpu.memory_space<vmem>>
    %dma_start3A_191 = arith.constant 0 : i32
    %dma_start3A_192 = arith.constant 0 : i32
    %dma_start3A_193 = tpu.memref_slice %arg4[%dma_start3A_191, %dma_start3A_192] : memref<100000x32xf32, #tpu.memory_space<hbm>> -> memref<100000x32xf32, #tpu.memory_space<hbm>>
    tpu.enqueue_indirect_dma source(%dma_start3A_193 : memref<100000x32xf32, #tpu.memory_space<hbm>>) target(%dma_start3A_187 : memref<128x32xf32, #tpu.memory_space<vmem>>) offsets(%dma_start3A_190 : memref<128xi32, #tpu.memory_space<vmem>>) semaphore(%arg16 : memref<!tpu.dma_semaphore, #tpu.memory_space<semaphore_mem>>)
    %dma_start3A_194 = arith.constant 16 : i32
    %dma_start3A_195 = arith.constant 16 : i32
    %dma_start3A_196 = arith.constant 0 : i32
    %dma_start3A_197 = arith.constant 0 : i32
    %dma_start3A_198 = tpu.memref_slice %arg11[%dma_start3A_195, %dma_start3A_196, %dma_start3A_197] : memref<20x128x32xf32, #tpu.memory_space<vmem>> -> memref<1x128x32xf32, #tpu.memory_space<vmem>>
    %dma_start3A_199 = tpu.memref_squeeze %dma_start3A_198 : memref<1x128x32xf32, #tpu.memory_space<vmem>> -> memref<128x32xf32, #tpu.memory_space<vmem>>
    %dma_start3A_200 = arith.constant 0 : i32
    %dma_start3A_201 = tpu.memref_slice %arg10[%dma_start3A_194, %dma_start3A_200] : memref<20x128xi32, #tpu.memory_space<vmem>> -> memref<1x128xi32, #tpu.memory_space<vmem>>
    %dma_start3A_202 = tpu.memref_squeeze %dma_start3A_201 : memref<1x128xi32, #tpu.memory_space<vmem>> -> memref<128xi32, #tpu.memory_space<vmem>>
    %dma_start3A_203 = arith.constant 0 : i32
    %dma_start3A_204 = arith.constant 0 : i32
    %dma_start3A_205 = tpu.memref_slice %arg4[%dma_start3A_203, %dma_start3A_204] : memref<100000x32xf32, #tpu.memory_space<hbm>> -> memref<100000x32xf32, #tpu.memory_space<hbm>>
    tpu.enqueue_indirect_dma source(%dma_start3A_205 : memref<100000x32xf32, #tpu.memory_space<hbm>>) target(%dma_start3A_199 : memref<128x32xf32, #tpu.memory_space<vmem>>) offsets(%dma_start3A_202 : memref<128xi32, #tpu.memory_space<vmem>>) semaphore(%arg16 : memref<!tpu.dma_semaphore, #tpu.memory_space<semaphore_mem>>)
    %dma_start3A_206 = arith.constant 17 : i32
    %dma_start3A_207 = arith.constant 17 : i32
    %dma_start3A_208 = arith.constant 0 : i32
    %dma_start3A_209 = arith.constant 0 : i32
    %dma_start3A_210 = tpu.memref_slice %arg11[%dma_start3A_207, %dma_start3A_208, %dma_start3A_209] : memref<20x128x32xf32, #tpu.memory_space<vmem>> -> memref<1x128x32xf32, #tpu.memory_space<vmem>>
    %dma_start3A_211 = tpu.memref_squeeze %dma_start3A_210 : memref<1x128x32xf32, #tpu.memory_space<vmem>> -> memref<128x32xf32, #tpu.memory_space<vmem>>
    %dma_start3A_212 = arith.constant 0 : i32
    %dma_start3A_213 = tpu.memref_slice %arg10[%dma_start3A_206, %dma_start3A_212] : memref<20x128xi32, #tpu.memory_space<vmem>> -> memref<1x128xi32, #tpu.memory_space<vmem>>
    %dma_start3A_214 = tpu.memref_squeeze %dma_start3A_213 : memref<1x128xi32, #tpu.memory_space<vmem>> -> memref<128xi32, #tpu.memory_space<vmem>>
    %dma_start3A_215 = arith.constant 0 : i32
    %dma_start3A_216 = arith.constant 0 : i32
    %dma_start3A_217 = tpu.memref_slice %arg4[%dma_start3A_215, %dma_start3A_216] : memref<100000x32xf32, #tpu.memory_space<hbm>> -> memref<100000x32xf32, #tpu.memory_space<hbm>>
    tpu.enqueue_indirect_dma source(%dma_start3A_217 : memref<100000x32xf32, #tpu.memory_space<hbm>>) target(%dma_start3A_211 : memref<128x32xf32, #tpu.memory_space<vmem>>) offsets(%dma_start3A_214 : memref<128xi32, #tpu.memory_space<vmem>>) semaphore(%arg16 : memref<!tpu.dma_semaphore, #tpu.memory_space<semaphore_mem>>)
    %dma_start3A_218 = arith.constant 18 : i32
    %dma_start3A_219 = arith.constant 18 : i32
    %dma_start3A_220 = arith.constant 0 : i32
    %dma_start3A_221 = arith.constant 0 : i32
    %dma_start3A_222 = tpu.memref_slice %arg11[%dma_start3A_219, %dma_start3A_220, %dma_start3A_221] : memref<20x128x32xf32, #tpu.memory_space<vmem>> -> memref<1x128x32xf32, #tpu.memory_space<vmem>>
    %dma_start3A_223 = tpu.memref_squeeze %dma_start3A_222 : memref<1x128x32xf32, #tpu.memory_space<vmem>> -> memref<128x32xf32, #tpu.memory_space<vmem>>
    %dma_start3A_224 = arith.constant 0 : i32
    %dma_start3A_225 = tpu.memref_slice %arg10[%dma_start3A_218, %dma_start3A_224] : memref<20x128xi32, #tpu.memory_space<vmem>> -> memref<1x128xi32, #tpu.memory_space<vmem>>
    %dma_start3A_226 = tpu.memref_squeeze %dma_start3A_225 : memref<1x128xi32, #tpu.memory_space<vmem>> -> memref<128xi32, #tpu.memory_space<vmem>>
    %dma_start3A_227 = arith.constant 0 : i32
    %dma_start3A_228 = arith.constant 0 : i32
    %dma_start3A_229 = tpu.memref_slice %arg4[%dma_start3A_227, %dma_start3A_228] : memref<100000x32xf32, #tpu.memory_space<hbm>> -> memref<100000x32xf32, #tpu.memory_space<hbm>>
    tpu.enqueue_indirect_dma source(%dma_start3A_229 : memref<100000x32xf32, #tpu.memory_space<hbm>>) target(%dma_start3A_223 : memref<128x32xf32, #tpu.memory_space<vmem>>) offsets(%dma_start3A_226 : memref<128xi32, #tpu.memory_space<vmem>>) semaphore(%arg16 : memref<!tpu.dma_semaphore, #tpu.memory_space<semaphore_mem>>)
    %dma_start3A_230 = arith.constant 19 : i32
    %dma_start3A_231 = arith.constant 19 : i32
    %dma_start3A_232 = arith.constant 0 : i32
    %dma_start3A_233 = arith.constant 0 : i32
    %dma_start3A_234 = tpu.memref_slice %arg11[%dma_start3A_231, %dma_start3A_232, %dma_start3A_233] : memref<20x128x32xf32, #tpu.memory_space<vmem>> -> memref<1x128x32xf32, #tpu.memory_space<vmem>>
    %dma_start3A_235 = tpu.memref_squeeze %dma_start3A_234 : memref<1x128x32xf32, #tpu.memory_space<vmem>> -> memref<128x32xf32, #tpu.memory_space<vmem>>
    %dma_start3A_236 = arith.constant 0 : i32
    %dma_start3A_237 = tpu.memref_slice %arg10[%dma_start3A_230, %dma_start3A_236] : memref<20x128xi32, #tpu.memory_space<vmem>> -> memref<1x128xi32, #tpu.memory_space<vmem>>
    %dma_start3A_238 = tpu.memref_squeeze %dma_start3A_237 : memref<1x128xi32, #tpu.memory_space<vmem>> -> memref<128xi32, #tpu.memory_space<vmem>>
    %dma_start3A_239 = arith.constant 0 : i32
    %dma_start3A_240 = arith.constant 0 : i32
    %dma_start3A_241 = tpu.memref_slice %arg4[%dma_start3A_239, %dma_start3A_240] : memref<100000x32xf32, #tpu.memory_space<hbm>> -> memref<100000x32xf32, #tpu.memory_space<hbm>>
    tpu.enqueue_indirect_dma source(%dma_start3A_241 : memref<100000x32xf32, #tpu.memory_space<hbm>>) target(%dma_start3A_235 : memref<128x32xf32, #tpu.memory_space<vmem>>) offsets(%dma_start3A_238 : memref<128xi32, #tpu.memory_space<vmem>>) semaphore(%arg16 : memref<!tpu.dma_semaphore, #tpu.memory_space<semaphore_mem>>)
    %dma_wait3A = arith.constant 0 : i32
    %dma_wait3A_242 = arith.constant 0 : i32
    %dma_wait3A_243 = arith.constant 0 : i32
    %dma_wait3A_244 = arith.constant 0 : i32
    %dma_wait3A_245 = tpu.memref_slice %arg11[%dma_wait3A_242, %dma_wait3A_243, %dma_wait3A_244] : memref<20x128x32xf32, #tpu.memory_space<vmem>> -> memref<1x128x32xf32, #tpu.memory_space<vmem>>
    %dma_wait3A_246 = tpu.memref_squeeze %dma_wait3A_245 : memref<1x128x32xf32, #tpu.memory_space<vmem>> -> memref<128x32xf32, #tpu.memory_space<vmem>>
    %dma_wait3A_247 = arith.constant 0 : i32
    %dma_wait3A_248 = tpu.memref_slice %arg10[%dma_wait3A, %dma_wait3A_247] : memref<20x128xi32, #tpu.memory_space<vmem>> -> memref<1x128xi32, #tpu.memory_space<vmem>>
    %dma_wait3A_249 = tpu.memref_squeeze %dma_wait3A_248 : memref<1x128xi32, #tpu.memory_space<vmem>> -> memref<128xi32, #tpu.memory_space<vmem>>
    %dma_wait3A_250 = arith.constant 0 : i32
    %dma_wait3A_251 = arith.constant 0 : i32
    %dma_wait3A_252 = tpu.memref_slice %arg4[%dma_wait3A_250, %dma_wait3A_251] : memref<100000x32xf32, #tpu.memory_space<hbm>> -> memref<100000x32xf32, #tpu.memory_space<hbm>>
    tpu.wait_indirect_dma semaphore(%arg16 : memref<!tpu.dma_semaphore, #tpu.memory_space<semaphore_mem>>) src(%dma_wait3A_252 : memref<100000x32xf32, #tpu.memory_space<hbm>>) dst(%dma_wait3A_246 : memref<128x32xf32, #tpu.memory_space<vmem>>)
    %dma_wait3A_253 = arith.constant 1 : i32
    %dma_wait3A_254 = arith.constant 1 : i32
    %dma_wait3A_255 = arith.constant 0 : i32
    %dma_wait3A_256 = arith.constant 0 : i32
    %dma_wait3A_257 = tpu.memref_slice %arg11[%dma_wait3A_254, %dma_wait3A_255, %dma_wait3A_256] : memref<20x128x32xf32, #tpu.memory_space<vmem>> -> memref<1x128x32xf32, #tpu.memory_space<vmem>>
    %dma_wait3A_258 = tpu.memref_squeeze %dma_wait3A_257 : memref<1x128x32xf32, #tpu.memory_space<vmem>> -> memref<128x32xf32, #tpu.memory_space<vmem>>
    %dma_wait3A_259 = arith.constant 0 : i32
    %dma_wait3A_260 = tpu.memref_slice %arg10[%dma_wait3A_253, %dma_wait3A_259] : memref<20x128xi32, #tpu.memory_space<vmem>> -> memref<1x128xi32, #tpu.memory_space<vmem>>
    %dma_wait3A_261 = tpu.memref_squeeze %dma_wait3A_260 : memref<1x128xi32, #tpu.memory_space<vmem>> -> memref<128xi32, #tpu.memory_space<vmem>>
    %dma_wait3A_262 = arith.constant 0 : i32
    %dma_wait3A_263 = arith.constant 0 : i32
    %dma_wait3A_264 = tpu.memref_slice %arg4[%dma_wait3A_262, %dma_wait3A_263] : memref<100000x32xf32, #tpu.memory_space<hbm>> -> memref<100000x32xf32, #tpu.memory_space<hbm>>
    tpu.wait_indirect_dma semaphore(%arg16 : memref<!tpu.dma_semaphore, #tpu.memory_space<semaphore_mem>>) src(%dma_wait3A_264 : memref<100000x32xf32, #tpu.memory_space<hbm>>) dst(%dma_wait3A_258 : memref<128x32xf32, #tpu.memory_space<vmem>>)
    %dma_wait3A_265 = arith.constant 2 : i32
    %dma_wait3A_266 = arith.constant 2 : i32
    %dma_wait3A_267 = arith.constant 0 : i32
    %dma_wait3A_268 = arith.constant 0 : i32
    %dma_wait3A_269 = tpu.memref_slice %arg11[%dma_wait3A_266, %dma_wait3A_267, %dma_wait3A_268] : memref<20x128x32xf32, #tpu.memory_space<vmem>> -> memref<1x128x32xf32, #tpu.memory_space<vmem>>
    %dma_wait3A_270 = tpu.memref_squeeze %dma_wait3A_269 : memref<1x128x32xf32, #tpu.memory_space<vmem>> -> memref<128x32xf32, #tpu.memory_space<vmem>>
    %dma_wait3A_271 = arith.constant 0 : i32
    %dma_wait3A_272 = tpu.memref_slice %arg10[%dma_wait3A_265, %dma_wait3A_271] : memref<20x128xi32, #tpu.memory_space<vmem>> -> memref<1x128xi32, #tpu.memory_space<vmem>>
    %dma_wait3A_273 = tpu.memref_squeeze %dma_wait3A_272 : memref<1x128xi32, #tpu.memory_space<vmem>> -> memref<128xi32, #tpu.memory_space<vmem>>
    %dma_wait3A_274 = arith.constant 0 : i32
    %dma_wait3A_275 = arith.constant 0 : i32
    %dma_wait3A_276 = tpu.memref_slice %arg4[%dma_wait3A_274, %dma_wait3A_275] : memref<100000x32xf32, #tpu.memory_space<hbm>> -> memref<100000x32xf32, #tpu.memory_space<hbm>>
    tpu.wait_indirect_dma semaphore(%arg16 : memref<!tpu.dma_semaphore, #tpu.memory_space<semaphore_mem>>) src(%dma_wait3A_276 : memref<100000x32xf32, #tpu.memory_space<hbm>>) dst(%dma_wait3A_270 : memref<128x32xf32, #tpu.memory_space<vmem>>)
    %dma_wait3A_277 = arith.constant 3 : i32
    %dma_wait3A_278 = arith.constant 3 : i32
    %dma_wait3A_279 = arith.constant 0 : i32
    %dma_wait3A_280 = arith.constant 0 : i32
    %dma_wait3A_281 = tpu.memref_slice %arg11[%dma_wait3A_278, %dma_wait3A_279, %dma_wait3A_280] : memref<20x128x32xf32, #tpu.memory_space<vmem>> -> memref<1x128x32xf32, #tpu.memory_space<vmem>>
    %dma_wait3A_282 = tpu.memref_squeeze %dma_wait3A_281 : memref<1x128x32xf32, #tpu.memory_space<vmem>> -> memref<128x32xf32, #tpu.memory_space<vmem>>
    %dma_wait3A_283 = arith.constant 0 : i32
    %dma_wait3A_284 = tpu.memref_slice %arg10[%dma_wait3A_277, %dma_wait3A_283] : memref<20x128xi32, #tpu.memory_space<vmem>> -> memref<1x128xi32, #tpu.memory_space<vmem>>
    %dma_wait3A_285 = tpu.memref_squeeze %dma_wait3A_284 : memref<1x128xi32, #tpu.memory_space<vmem>> -> memref<128xi32, #tpu.memory_space<vmem>>
    %dma_wait3A_286 = arith.constant 0 : i32
    %dma_wait3A_287 = arith.constant 0 : i32
    %dma_wait3A_288 = tpu.memref_slice %arg4[%dma_wait3A_286, %dma_wait3A_287] : memref<100000x32xf32, #tpu.memory_space<hbm>> -> memref<100000x32xf32, #tpu.memory_space<hbm>>
    tpu.wait_indirect_dma semaphore(%arg16 : memref<!tpu.dma_semaphore, #tpu.memory_space<semaphore_mem>>) src(%dma_wait3A_288 : memref<100000x32xf32, #tpu.memory_space<hbm>>) dst(%dma_wait3A_282 : memref<128x32xf32, #tpu.memory_space<vmem>>)
    %dma_wait3A_289 = arith.constant 4 : i32
    %dma_wait3A_290 = arith.constant 4 : i32
    %dma_wait3A_291 = arith.constant 0 : i32
    %dma_wait3A_292 = arith.constant 0 : i32
    %dma_wait3A_293 = tpu.memref_slice %arg11[%dma_wait3A_290, %dma_wait3A_291, %dma_wait3A_292] : memref<20x128x32xf32, #tpu.memory_space<vmem>> -> memref<1x128x32xf32, #tpu.memory_space<vmem>>
    %dma_wait3A_294 = tpu.memref_squeeze %dma_wait3A_293 : memref<1x128x32xf32, #tpu.memory_space<vmem>> -> memref<128x32xf32, #tpu.memory_space<vmem>>
    %dma_wait3A_295 = arith.constant 0 : i32
    %dma_wait3A_296 = tpu.memref_slice %arg10[%dma_wait3A_289, %dma_wait3A_295] : memref<20x128xi32, #tpu.memory_space<vmem>> -> memref<1x128xi32, #tpu.memory_space<vmem>>
    %dma_wait3A_297 = tpu.memref_squeeze %dma_wait3A_296 : memref<1x128xi32, #tpu.memory_space<vmem>> -> memref<128xi32, #tpu.memory_space<vmem>>
    %dma_wait3A_298 = arith.constant 0 : i32
    %dma_wait3A_299 = arith.constant 0 : i32
    %dma_wait3A_300 = tpu.memref_slice %arg4[%dma_wait3A_298, %dma_wait3A_299] : memref<100000x32xf32, #tpu.memory_space<hbm>> -> memref<100000x32xf32, #tpu.memory_space<hbm>>
    tpu.wait_indirect_dma semaphore(%arg16 : memref<!tpu.dma_semaphore, #tpu.memory_space<semaphore_mem>>) src(%dma_wait3A_300 : memref<100000x32xf32, #tpu.memory_space<hbm>>) dst(%dma_wait3A_294 : memref<128x32xf32, #tpu.memory_space<vmem>>)
    %dma_wait3A_301 = arith.constant 5 : i32
    %dma_wait3A_302 = arith.constant 5 : i32
    %dma_wait3A_303 = arith.constant 0 : i32
    %dma_wait3A_304 = arith.constant 0 : i32
    %dma_wait3A_305 = tpu.memref_slice %arg11[%dma_wait3A_302, %dma_wait3A_303, %dma_wait3A_304] : memref<20x128x32xf32, #tpu.memory_space<vmem>> -> memref<1x128x32xf32, #tpu.memory_space<vmem>>
    %dma_wait3A_306 = tpu.memref_squeeze %dma_wait3A_305 : memref<1x128x32xf32, #tpu.memory_space<vmem>> -> memref<128x32xf32, #tpu.memory_space<vmem>>
    %dma_wait3A_307 = arith.constant 0 : i32
    %dma_wait3A_308 = tpu.memref_slice %arg10[%dma_wait3A_301, %dma_wait3A_307] : memref<20x128xi32, #tpu.memory_space<vmem>> -> memref<1x128xi32, #tpu.memory_space<vmem>>
    %dma_wait3A_309 = tpu.memref_squeeze %dma_wait3A_308 : memref<1x128xi32, #tpu.memory_space<vmem>> -> memref<128xi32, #tpu.memory_space<vmem>>
    %dma_wait3A_310 = arith.constant 0 : i32
    %dma_wait3A_311 = arith.constant 0 : i32
    %dma_wait3A_312 = tpu.memref_slice %arg4[%dma_wait3A_310, %dma_wait3A_311] : memref<100000x32xf32, #tpu.memory_space<hbm>> -> memref<100000x32xf32, #tpu.memory_space<hbm>>
    tpu.wait_indirect_dma semaphore(%arg16 : memref<!tpu.dma_semaphore, #tpu.memory_space<semaphore_mem>>) src(%dma_wait3A_312 : memref<100000x32xf32, #tpu.memory_space<hbm>>) dst(%dma_wait3A_306 : memref<128x32xf32, #tpu.memory_space<vmem>>)
    %dma_wait3A_313 = arith.constant 6 : i32
    %dma_wait3A_314 = arith.constant 6 : i32
    %dma_wait3A_315 = arith.constant 0 : i32
    %dma_wait3A_316 = arith.constant 0 : i32
    %dma_wait3A_317 = tpu.memref_slice %arg11[%dma_wait3A_314, %dma_wait3A_315, %dma_wait3A_316] : memref<20x128x32xf32, #tpu.memory_space<vmem>> -> memref<1x128x32xf32, #tpu.memory_space<vmem>>
    %dma_wait3A_318 = tpu.memref_squeeze %dma_wait3A_317 : memref<1x128x32xf32, #tpu.memory_space<vmem>> -> memref<128x32xf32, #tpu.memory_space<vmem>>
    %dma_wait3A_319 = arith.constant 0 : i32
    %dma_wait3A_320 = tpu.memref_slice %arg10[%dma_wait3A_313, %dma_wait3A_319] : memref<20x128xi32, #tpu.memory_space<vmem>> -> memref<1x128xi32, #tpu.memory_space<vmem>>
    %dma_wait3A_321 = tpu.memref_squeeze %dma_wait3A_320 : memref<1x128xi32, #tpu.memory_space<vmem>> -> memref<128xi32, #tpu.memory_space<vmem>>
    %dma_wait3A_322 = arith.constant 0 : i32
    %dma_wait3A_323 = arith.constant 0 : i32
    %dma_wait3A_324 = tpu.memref_slice %arg4[%dma_wait3A_322, %dma_wait3A_323] : memref<100000x32xf32, #tpu.memory_space<hbm>> -> memref<100000x32xf32, #tpu.memory_space<hbm>>
    tpu.wait_indirect_dma semaphore(%arg16 : memref<!tpu.dma_semaphore, #tpu.memory_space<semaphore_mem>>) src(%dma_wait3A_324 : memref<100000x32xf32, #tpu.memory_space<hbm>>) dst(%dma_wait3A_318 : memref<128x32xf32, #tpu.memory_space<vmem>>)
    %dma_wait3A_325 = arith.constant 7 : i32
    %dma_wait3A_326 = arith.constant 7 : i32
    %dma_wait3A_327 = arith.constant 0 : i32
    %dma_wait3A_328 = arith.constant 0 : i32
    %dma_wait3A_329 = tpu.memref_slice %arg11[%dma_wait3A_326, %dma_wait3A_327, %dma_wait3A_328] : memref<20x128x32xf32, #tpu.memory_space<vmem>> -> memref<1x128x32xf32, #tpu.memory_space<vmem>>
    %dma_wait3A_330 = tpu.memref_squeeze %dma_wait3A_329 : memref<1x128x32xf32, #tpu.memory_space<vmem>> -> memref<128x32xf32, #tpu.memory_space<vmem>>
    %dma_wait3A_331 = arith.constant 0 : i32
    %dma_wait3A_332 = tpu.memref_slice %arg10[%dma_wait3A_325, %dma_wait3A_331] : memref<20x128xi32, #tpu.memory_space<vmem>> -> memref<1x128xi32, #tpu.memory_space<vmem>>
    %dma_wait3A_333 = tpu.memref_squeeze %dma_wait3A_332 : memref<1x128xi32, #tpu.memory_space<vmem>> -> memref<128xi32, #tpu.memory_space<vmem>>
    %dma_wait3A_334 = arith.constant 0 : i32
    %dma_wait3A_335 = arith.constant 0 : i32
    %dma_wait3A_336 = tpu.memref_slice %arg4[%dma_wait3A_334, %dma_wait3A_335] : memref<100000x32xf32, #tpu.memory_space<hbm>> -> memref<100000x32xf32, #tpu.memory_space<hbm>>
    tpu.wait_indirect_dma semaphore(%arg16 : memref<!tpu.dma_semaphore, #tpu.memory_space<semaphore_mem>>) src(%dma_wait3A_336 : memref<100000x32xf32, #tpu.memory_space<hbm>>) dst(%dma_wait3A_330 : memref<128x32xf32, #tpu.memory_space<vmem>>)
    %dma_wait3A_337 = arith.constant 8 : i32
    %dma_wait3A_338 = arith.constant 8 : i32
    %dma_wait3A_339 = arith.constant 0 : i32
    %dma_wait3A_340 = arith.constant 0 : i32
    %dma_wait3A_341 = tpu.memref_slice %arg11[%dma_wait3A_338, %dma_wait3A_339, %dma_wait3A_340] : memref<20x128x32xf32, #tpu.memory_space<vmem>> -> memref<1x128x32xf32, #tpu.memory_space<vmem>>
    %dma_wait3A_342 = tpu.memref_squeeze %dma_wait3A_341 : memref<1x128x32xf32, #tpu.memory_space<vmem>> -> memref<128x32xf32, #tpu.memory_space<vmem>>
    %dma_wait3A_343 = arith.constant 0 : i32
    %dma_wait3A_344 = tpu.memref_slice %arg10[%dma_wait3A_337, %dma_wait3A_343] : memref<20x128xi32, #tpu.memory_space<vmem>> -> memref<1x128xi32, #tpu.memory_space<vmem>>
    %dma_wait3A_345 = tpu.memref_squeeze %dma_wait3A_344 : memref<1x128xi32, #tpu.memory_space<vmem>> -> memref<128xi32, #tpu.memory_space<vmem>>
    %dma_wait3A_346 = arith.constant 0 : i32
    %dma_wait3A_347 = arith.constant 0 : i32
    %dma_wait3A_348 = tpu.memref_slice %arg4[%dma_wait3A_346, %dma_wait3A_347] : memref<100000x32xf32, #tpu.memory_space<hbm>> -> memref<100000x32xf32, #tpu.memory_space<hbm>>
    tpu.wait_indirect_dma semaphore(%arg16 : memref<!tpu.dma_semaphore, #tpu.memory_space<semaphore_mem>>) src(%dma_wait3A_348 : memref<100000x32xf32, #tpu.memory_space<hbm>>) dst(%dma_wait3A_342 : memref<128x32xf32, #tpu.memory_space<vmem>>)
    %dma_wait3A_349 = arith.constant 9 : i32
    %dma_wait3A_350 = arith.constant 9 : i32
    %dma_wait3A_351 = arith.constant 0 : i32
    %dma_wait3A_352 = arith.constant 0 : i32
    %dma_wait3A_353 = tpu.memref_slice %arg11[%dma_wait3A_350, %dma_wait3A_351, %dma_wait3A_352] : memref<20x128x32xf32, #tpu.memory_space<vmem>> -> memref<1x128x32xf32, #tpu.memory_space<vmem>>
    %dma_wait3A_354 = tpu.memref_squeeze %dma_wait3A_353 : memref<1x128x32xf32, #tpu.memory_space<vmem>> -> memref<128x32xf32, #tpu.memory_space<vmem>>
    %dma_wait3A_355 = arith.constant 0 : i32
    %dma_wait3A_356 = tpu.memref_slice %arg10[%dma_wait3A_349, %dma_wait3A_355] : memref<20x128xi32, #tpu.memory_space<vmem>> -> memref<1x128xi32, #tpu.memory_space<vmem>>
    %dma_wait3A_357 = tpu.memref_squeeze %dma_wait3A_356 : memref<1x128xi32, #tpu.memory_space<vmem>> -> memref<128xi32, #tpu.memory_space<vmem>>
    %dma_wait3A_358 = arith.constant 0 : i32
    %dma_wait3A_359 = arith.constant 0 : i32
    %dma_wait3A_360 = tpu.memref_slice %arg4[%dma_wait3A_358, %dma_wait3A_359] : memref<100000x32xf32, #tpu.memory_space<hbm>> -> memref<100000x32xf32, #tpu.memory_space<hbm>>
    tpu.wait_indirect_dma semaphore(%arg16 : memref<!tpu.dma_semaphore, #tpu.memory_space<semaphore_mem>>) src(%dma_wait3A_360 : memref<100000x32xf32, #tpu.memory_space<hbm>>) dst(%dma_wait3A_354 : memref<128x32xf32, #tpu.memory_space<vmem>>)
    %dma_wait3A_361 = arith.constant 10 : i32
    %dma_wait3A_362 = arith.constant 10 : i32
    %dma_wait3A_363 = arith.constant 0 : i32
    %dma_wait3A_364 = arith.constant 0 : i32
    %dma_wait3A_365 = tpu.memref_slice %arg11[%dma_wait3A_362, %dma_wait3A_363, %dma_wait3A_364] : memref<20x128x32xf32, #tpu.memory_space<vmem>> -> memref<1x128x32xf32, #tpu.memory_space<vmem>>
    %dma_wait3A_366 = tpu.memref_squeeze %dma_wait3A_365 : memref<1x128x32xf32, #tpu.memory_space<vmem>> -> memref<128x32xf32, #tpu.memory_space<vmem>>
    %dma_wait3A_367 = arith.constant 0 : i32
    %dma_wait3A_368 = tpu.memref_slice %arg10[%dma_wait3A_361, %dma_wait3A_367] : memref<20x128xi32, #tpu.memory_space<vmem>> -> memref<1x128xi32, #tpu.memory_space<vmem>>
    %dma_wait3A_369 = tpu.memref_squeeze %dma_wait3A_368 : memref<1x128xi32, #tpu.memory_space<vmem>> -> memref<128xi32, #tpu.memory_space<vmem>>
    %dma_wait3A_370 = arith.constant 0 : i32
    %dma_wait3A_371 = arith.constant 0 : i32
    %dma_wait3A_372 = tpu.memref_slice %arg4[%dma_wait3A_370, %dma_wait3A_371] : memref<100000x32xf32, #tpu.memory_space<hbm>> -> memref<100000x32xf32, #tpu.memory_space<hbm>>
    tpu.wait_indirect_dma semaphore(%arg16 : memref<!tpu.dma_semaphore, #tpu.memory_space<semaphore_mem>>) src(%dma_wait3A_372 : memref<100000x32xf32, #tpu.memory_space<hbm>>) dst(%dma_wait3A_366 : memref<128x32xf32, #tpu.memory_space<vmem>>)
    %dma_wait3A_373 = arith.constant 11 : i32
    %dma_wait3A_374 = arith.constant 11 : i32
    %dma_wait3A_375 = arith.constant 0 : i32
    %dma_wait3A_376 = arith.constant 0 : i32
    %dma_wait3A_377 = tpu.memref_slice %arg11[%dma_wait3A_374, %dma_wait3A_375, %dma_wait3A_376] : memref<20x128x32xf32, #tpu.memory_space<vmem>> -> memref<1x128x32xf32, #tpu.memory_space<vmem>>
    %dma_wait3A_378 = tpu.memref_squeeze %dma_wait3A_377 : memref<1x128x32xf32, #tpu.memory_space<vmem>> -> memref<128x32xf32, #tpu.memory_space<vmem>>
    %dma_wait3A_379 = arith.constant 0 : i32
    %dma_wait3A_380 = tpu.memref_slice %arg10[%dma_wait3A_373, %dma_wait3A_379] : memref<20x128xi32, #tpu.memory_space<vmem>> -> memref<1x128xi32, #tpu.memory_space<vmem>>
    %dma_wait3A_381 = tpu.memref_squeeze %dma_wait3A_380 : memref<1x128xi32, #tpu.memory_space<vmem>> -> memref<128xi32, #tpu.memory_space<vmem>>
    %dma_wait3A_382 = arith.constant 0 : i32
    %dma_wait3A_383 = arith.constant 0 : i32
    %dma_wait3A_384 = tpu.memref_slice %arg4[%dma_wait3A_382, %dma_wait3A_383] : memref<100000x32xf32, #tpu.memory_space<hbm>> -> memref<100000x32xf32, #tpu.memory_space<hbm>>
    tpu.wait_indirect_dma semaphore(%arg16 : memref<!tpu.dma_semaphore, #tpu.memory_space<semaphore_mem>>) src(%dma_wait3A_384 : memref<100000x32xf32, #tpu.memory_space<hbm>>) dst(%dma_wait3A_378 : memref<128x32xf32, #tpu.memory_space<vmem>>)
    %dma_wait3A_385 = arith.constant 12 : i32
    %dma_wait3A_386 = arith.constant 12 : i32
    %dma_wait3A_387 = arith.constant 0 : i32
    %dma_wait3A_388 = arith.constant 0 : i32
    %dma_wait3A_389 = tpu.memref_slice %arg11[%dma_wait3A_386, %dma_wait3A_387, %dma_wait3A_388] : memref<20x128x32xf32, #tpu.memory_space<vmem>> -> memref<1x128x32xf32, #tpu.memory_space<vmem>>
    %dma_wait3A_390 = tpu.memref_squeeze %dma_wait3A_389 : memref<1x128x32xf32, #tpu.memory_space<vmem>> -> memref<128x32xf32, #tpu.memory_space<vmem>>
    %dma_wait3A_391 = arith.constant 0 : i32
    %dma_wait3A_392 = tpu.memref_slice %arg10[%dma_wait3A_385, %dma_wait3A_391] : memref<20x128xi32, #tpu.memory_space<vmem>> -> memref<1x128xi32, #tpu.memory_space<vmem>>
    %dma_wait3A_393 = tpu.memref_squeeze %dma_wait3A_392 : memref<1x128xi32, #tpu.memory_space<vmem>> -> memref<128xi32, #tpu.memory_space<vmem>>
    %dma_wait3A_394 = arith.constant 0 : i32
    %dma_wait3A_395 = arith.constant 0 : i32
    %dma_wait3A_396 = tpu.memref_slice %arg4[%dma_wait3A_394, %dma_wait3A_395] : memref<100000x32xf32, #tpu.memory_space<hbm>> -> memref<100000x32xf32, #tpu.memory_space<hbm>>
    tpu.wait_indirect_dma semaphore(%arg16 : memref<!tpu.dma_semaphore, #tpu.memory_space<semaphore_mem>>) src(%dma_wait3A_396 : memref<100000x32xf32, #tpu.memory_space<hbm>>) dst(%dma_wait3A_390 : memref<128x32xf32, #tpu.memory_space<vmem>>)
    %dma_wait3A_397 = arith.constant 13 : i32
    %dma_wait3A_398 = arith.constant 13 : i32
    %dma_wait3A_399 = arith.constant 0 : i32
    %dma_wait3A_400 = arith.constant 0 : i32
    %dma_wait3A_401 = tpu.memref_slice %arg11[%dma_wait3A_398, %dma_wait3A_399, %dma_wait3A_400] : memref<20x128x32xf32, #tpu.memory_space<vmem>> -> memref<1x128x32xf32, #tpu.memory_space<vmem>>
    %dma_wait3A_402 = tpu.memref_squeeze %dma_wait3A_401 : memref<1x128x32xf32, #tpu.memory_space<vmem>> -> memref<128x32xf32, #tpu.memory_space<vmem>>
    %dma_wait3A_403 = arith.constant 0 : i32
    %dma_wait3A_404 = tpu.memref_slice %arg10[%dma_wait3A_397, %dma_wait3A_403] : memref<20x128xi32, #tpu.memory_space<vmem>> -> memref<1x128xi32, #tpu.memory_space<vmem>>
    %dma_wait3A_405 = tpu.memref_squeeze %dma_wait3A_404 : memref<1x128xi32, #tpu.memory_space<vmem>> -> memref<128xi32, #tpu.memory_space<vmem>>
    %dma_wait3A_406 = arith.constant 0 : i32
    %dma_wait3A_407 = arith.constant 0 : i32
    %dma_wait3A_408 = tpu.memref_slice %arg4[%dma_wait3A_406, %dma_wait3A_407] : memref<100000x32xf32, #tpu.memory_space<hbm>> -> memref<100000x32xf32, #tpu.memory_space<hbm>>
    tpu.wait_indirect_dma semaphore(%arg16 : memref<!tpu.dma_semaphore, #tpu.memory_space<semaphore_mem>>) src(%dma_wait3A_408 : memref<100000x32xf32, #tpu.memory_space<hbm>>) dst(%dma_wait3A_402 : memref<128x32xf32, #tpu.memory_space<vmem>>)
    %dma_wait3A_409 = arith.constant 14 : i32
    %dma_wait3A_410 = arith.constant 14 : i32
    %dma_wait3A_411 = arith.constant 0 : i32
    %dma_wait3A_412 = arith.constant 0 : i32
    %dma_wait3A_413 = tpu.memref_slice %arg11[%dma_wait3A_410, %dma_wait3A_411, %dma_wait3A_412] : memref<20x128x32xf32, #tpu.memory_space<vmem>> -> memref<1x128x32xf32, #tpu.memory_space<vmem>>
    %dma_wait3A_414 = tpu.memref_squeeze %dma_wait3A_413 : memref<1x128x32xf32, #tpu.memory_space<vmem>> -> memref<128x32xf32, #tpu.memory_space<vmem>>
    %dma_wait3A_415 = arith.constant 0 : i32
    %dma_wait3A_416 = tpu.memref_slice %arg10[%dma_wait3A_409, %dma_wait3A_415] : memref<20x128xi32, #tpu.memory_space<vmem>> -> memref<1x128xi32, #tpu.memory_space<vmem>>
    %dma_wait3A_417 = tpu.memref_squeeze %dma_wait3A_416 : memref<1x128xi32, #tpu.memory_space<vmem>> -> memref<128xi32, #tpu.memory_space<vmem>>
    %dma_wait3A_418 = arith.constant 0 : i32
    %dma_wait3A_419 = arith.constant 0 : i32
    %dma_wait3A_420 = tpu.memref_slice %arg4[%dma_wait3A_418, %dma_wait3A_419] : memref<100000x32xf32, #tpu.memory_space<hbm>> -> memref<100000x32xf32, #tpu.memory_space<hbm>>
    tpu.wait_indirect_dma semaphore(%arg16 : memref<!tpu.dma_semaphore, #tpu.memory_space<semaphore_mem>>) src(%dma_wait3A_420 : memref<100000x32xf32, #tpu.memory_space<hbm>>) dst(%dma_wait3A_414 : memref<128x32xf32, #tpu.memory_space<vmem>>)
    %dma_wait3A_421 = arith.constant 15 : i32
    %dma_wait3A_422 = arith.constant 15 : i32
    %dma_wait3A_423 = arith.constant 0 : i32
    %dma_wait3A_424 = arith.constant 0 : i32
    %dma_wait3A_425 = tpu.memref_slice %arg11[%dma_wait3A_422, %dma_wait3A_423, %dma_wait3A_424] : memref<20x128x32xf32, #tpu.memory_space<vmem>> -> memref<1x128x32xf32, #tpu.memory_space<vmem>>
    %dma_wait3A_426 = tpu.memref_squeeze %dma_wait3A_425 : memref<1x128x32xf32, #tpu.memory_space<vmem>> -> memref<128x32xf32, #tpu.memory_space<vmem>>
    %dma_wait3A_427 = arith.constant 0 : i32
    %dma_wait3A_428 = tpu.memref_slice %arg10[%dma_wait3A_421, %dma_wait3A_427] : memref<20x128xi32, #tpu.memory_space<vmem>> -> memref<1x128xi32, #tpu.memory_space<vmem>>
    %dma_wait3A_429 = tpu.memref_squeeze %dma_wait3A_428 : memref<1x128xi32, #tpu.memory_space<vmem>> -> memref<128xi32, #tpu.memory_space<vmem>>
    %dma_wait3A_430 = arith.constant 0 : i32
    %dma_wait3A_431 = arith.constant 0 : i32
    %dma_wait3A_432 = tpu.memref_slice %arg4[%dma_wait3A_430, %dma_wait3A_431] : memref<100000x32xf32, #tpu.memory_space<hbm>> -> memref<100000x32xf32, #tpu.memory_space<hbm>>
    tpu.wait_indirect_dma semaphore(%arg16 : memref<!tpu.dma_semaphore, #tpu.memory_space<semaphore_mem>>) src(%dma_wait3A_432 : memref<100000x32xf32, #tpu.memory_space<hbm>>) dst(%dma_wait3A_426 : memref<128x32xf32, #tpu.memory_space<vmem>>)
    %dma_wait3A_433 = arith.constant 16 : i32
    %dma_wait3A_434 = arith.constant 16 : i32
    %dma_wait3A_435 = arith.constant 0 : i32
    %dma_wait3A_436 = arith.constant 0 : i32
    %dma_wait3A_437 = tpu.memref_slice %arg11[%dma_wait3A_434, %dma_wait3A_435, %dma_wait3A_436] : memref<20x128x32xf32, #tpu.memory_space<vmem>> -> memref<1x128x32xf32, #tpu.memory_space<vmem>>
    %dma_wait3A_438 = tpu.memref_squeeze %dma_wait3A_437 : memref<1x128x32xf32, #tpu.memory_space<vmem>> -> memref<128x32xf32, #tpu.memory_space<vmem>>
    %dma_wait3A_439 = arith.constant 0 : i32
    %dma_wait3A_440 = tpu.memref_slice %arg10[%dma_wait3A_433, %dma_wait3A_439] : memref<20x128xi32, #tpu.memory_space<vmem>> -> memref<1x128xi32, #tpu.memory_space<vmem>>
    %dma_wait3A_441 = tpu.memref_squeeze %dma_wait3A_440 : memref<1x128xi32, #tpu.memory_space<vmem>> -> memref<128xi32, #tpu.memory_space<vmem>>
    %dma_wait3A_442 = arith.constant 0 : i32
    %dma_wait3A_443 = arith.constant 0 : i32
    %dma_wait3A_444 = tpu.memref_slice %arg4[%dma_wait3A_442, %dma_wait3A_443] : memref<100000x32xf32, #tpu.memory_space<hbm>> -> memref<100000x32xf32, #tpu.memory_space<hbm>>
    tpu.wait_indirect_dma semaphore(%arg16 : memref<!tpu.dma_semaphore, #tpu.memory_space<semaphore_mem>>) src(%dma_wait3A_444 : memref<100000x32xf32, #tpu.memory_space<hbm>>) dst(%dma_wait3A_438 : memref<128x32xf32, #tpu.memory_space<vmem>>)
    %dma_wait3A_445 = arith.constant 17 : i32
    %dma_wait3A_446 = arith.constant 17 : i32
    %dma_wait3A_447 = arith.constant 0 : i32
    %dma_wait3A_448 = arith.constant 0 : i32
    %dma_wait3A_449 = tpu.memref_slice %arg11[%dma_wait3A_446, %dma_wait3A_447, %dma_wait3A_448] : memref<20x128x32xf32, #tpu.memory_space<vmem>> -> memref<1x128x32xf32, #tpu.memory_space<vmem>>
    %dma_wait3A_450 = tpu.memref_squeeze %dma_wait3A_449 : memref<1x128x32xf32, #tpu.memory_space<vmem>> -> memref<128x32xf32, #tpu.memory_space<vmem>>
    %dma_wait3A_451 = arith.constant 0 : i32
    %dma_wait3A_452 = tpu.memref_slice %arg10[%dma_wait3A_445, %dma_wait3A_451] : memref<20x128xi32, #tpu.memory_space<vmem>> -> memref<1x128xi32, #tpu.memory_space<vmem>>
    %dma_wait3A_453 = tpu.memref_squeeze %dma_wait3A_452 : memref<1x128xi32, #tpu.memory_space<vmem>> -> memref<128xi32, #tpu.memory_space<vmem>>
    %dma_wait3A_454 = arith.constant 0 : i32
    %dma_wait3A_455 = arith.constant 0 : i32
    %dma_wait3A_456 = tpu.memref_slice %arg4[%dma_wait3A_454, %dma_wait3A_455] : memref<100000x32xf32, #tpu.memory_space<hbm>> -> memref<100000x32xf32, #tpu.memory_space<hbm>>
    tpu.wait_indirect_dma semaphore(%arg16 : memref<!tpu.dma_semaphore, #tpu.memory_space<semaphore_mem>>) src(%dma_wait3A_456 : memref<100000x32xf32, #tpu.memory_space<hbm>>) dst(%dma_wait3A_450 : memref<128x32xf32, #tpu.memory_space<vmem>>)
    %dma_wait3A_457 = arith.constant 18 : i32
    %dma_wait3A_458 = arith.constant 18 : i32
    %dma_wait3A_459 = arith.constant 0 : i32
    %dma_wait3A_460 = arith.constant 0 : i32
    %dma_wait3A_461 = tpu.memref_slice %arg11[%dma_wait3A_458, %dma_wait3A_459, %dma_wait3A_460] : memref<20x128x32xf32, #tpu.memory_space<vmem>> -> memref<1x128x32xf32, #tpu.memory_space<vmem>>
    %dma_wait3A_462 = tpu.memref_squeeze %dma_wait3A_461 : memref<1x128x32xf32, #tpu.memory_space<vmem>> -> memref<128x32xf32, #tpu.memory_space<vmem>>
    %dma_wait3A_463 = arith.constant 0 : i32
    %dma_wait3A_464 = tpu.memref_slice %arg10[%dma_wait3A_457, %dma_wait3A_463] : memref<20x128xi32, #tpu.memory_space<vmem>> -> memref<1x128xi32, #tpu.memory_space<vmem>>
    %dma_wait3A_465 = tpu.memref_squeeze %dma_wait3A_464 : memref<1x128xi32, #tpu.memory_space<vmem>> -> memref<128xi32, #tpu.memory_space<vmem>>
    %dma_wait3A_466 = arith.constant 0 : i32
    %dma_wait3A_467 = arith.constant 0 : i32
    %dma_wait3A_468 = tpu.memref_slice %arg4[%dma_wait3A_466, %dma_wait3A_467] : memref<100000x32xf32, #tpu.memory_space<hbm>> -> memref<100000x32xf32, #tpu.memory_space<hbm>>
    tpu.wait_indirect_dma semaphore(%arg16 : memref<!tpu.dma_semaphore, #tpu.memory_space<semaphore_mem>>) src(%dma_wait3A_468 : memref<100000x32xf32, #tpu.memory_space<hbm>>) dst(%dma_wait3A_462 : memref<128x32xf32, #tpu.memory_space<vmem>>)
    %dma_wait3A_469 = arith.constant 19 : i32
    %dma_wait3A_470 = arith.constant 19 : i32
    %dma_wait3A_471 = arith.constant 0 : i32
    %dma_wait3A_472 = arith.constant 0 : i32
    %dma_wait3A_473 = tpu.memref_slice %arg11[%dma_wait3A_470, %dma_wait3A_471, %dma_wait3A_472] : memref<20x128x32xf32, #tpu.memory_space<vmem>> -> memref<1x128x32xf32, #tpu.memory_space<vmem>>
    %dma_wait3A_474 = tpu.memref_squeeze %dma_wait3A_473 : memref<1x128x32xf32, #tpu.memory_space<vmem>> -> memref<128x32xf32, #tpu.memory_space<vmem>>
    %dma_wait3A_475 = arith.constant 0 : i32
    %dma_wait3A_476 = tpu.memref_slice %arg10[%dma_wait3A_469, %dma_wait3A_475] : memref<20x128xi32, #tpu.memory_space<vmem>> -> memref<1x128xi32, #tpu.memory_space<vmem>>
    %dma_wait3A_477 = tpu.memref_squeeze %dma_wait3A_476 : memref<1x128xi32, #tpu.memory_space<vmem>> -> memref<128xi32, #tpu.memory_space<vmem>>
    %dma_wait3A_478 = arith.constant 0 : i32
    %dma_wait3A_479 = arith.constant 0 : i32
    %dma_wait3A_480 = tpu.memref_slice %arg4[%dma_wait3A_478, %dma_wait3A_479] : memref<100000x32xf32, #tpu.memory_space<hbm>> -> memref<100000x32xf32, #tpu.memory_space<hbm>>
    tpu.wait_indirect_dma semaphore(%arg16 : memref<!tpu.dma_semaphore, #tpu.memory_space<semaphore_mem>>) src(%dma_wait3A_480 : memref<100000x32xf32, #tpu.memory_space<hbm>>) dst(%dma_wait3A_474 : memref<128x32xf32, #tpu.memory_space<vmem>>)
    %scan3A = arith.constant 0 : i32
    %scan3A_481 = arith.constant 0 : i32
    %scan3A_482 = arith.constant 128 : i32
    %scan3A_483 = arith.addi %scan3A_481, %scan3A_482 : i32
    %scan3A_484 = arith.constant 1 : i32
    %scan3A_485 = scf.for %scan3A_499 = %scan3A_481 to %scan3A_483 step %scan3A_484 iter_args(%scan3A_500 = %scan3A) -> (i32)  : i32 {
      %broadcast_in_dim3A = arith.constant 0.000000e+00 : f32
      %broadcast_in_dim3A_501 = vector.broadcast %broadcast_in_dim3A : f32 to vector<16xf32>
      %broadcast_in_dim3A_502 = arith.constant 0.000000e+00 : f32
      %broadcast_in_dim3A_503 = vector.broadcast %broadcast_in_dim3A_502 : f32 to vector<16xf32>
      %get3A = arith.constant 0 : i32
      %get3A_504 = arith.index_cast %get3A : i32 to index
      %get3A_505 = arith.index_cast %scan3A_499 : i32 to index
      %get3A_506 = arith.constant 0 : index
      %get3A_507 = tpu.vector_load %arg11[%get3A_504, %get3A_505, %get3A_506] {strides = array<i32>} : memref<20x128x32xf32, #tpu.memory_space<vmem>>, vector<1x1x16xf32>,
      %get3A_508 = vector.shape_cast %get3A_507 : vector<1x1x16xf32> to vector<16xf32>
      %add3A_509 = arith.addf %broadcast_in_dim3A_501, %get3A_508 : vector<16xf32>
      %get3A_510 = arith.constant 0 : i32
      %get3A_511 = arith.index_cast %get3A_510 : i32 to index
      %get3A_512 = arith.index_cast %scan3A_499 : i32 to index
      %get3A_513 = arith.constant 16 : index
      %get3A_514 = tpu.vector_load %arg11[%get3A_511, %get3A_512, %get3A_513] {strides = array<i32>} : memref<20x128x32xf32, #tpu.memory_space<vmem>>, vector<1x1x16xf32>,
      %get3A_515 = vector.shape_cast %get3A_514 : vector<1x1x16xf32> to vector<16xf32>
      %add3A_516 = arith.addf %broadcast_in_dim3A_503, %get3A_515 : vector<16xf32>
      %get3A_517 = arith.constant 1 : i32
      %get3A_518 = arith.index_cast %get3A_517 : i32 to index
      %get3A_519 = arith.index_cast %scan3A_499 : i32 to index
      %get3A_520 = arith.constant 0 : index
      %get3A_521 = tpu.vector_load %arg11[%get3A_518, %get3A_519, %get3A_520] {strides = array<i32>} : memref<20x128x32xf32, #tpu.memory_space<vmem>>, vector<1x1x16xf32>,
      %get3A_522 = vector.shape_cast %get3A_521 : vector<1x1x16xf32> to vector<16xf32>
      %add3A_523 = arith.addf %add3A_509, %get3A_522 : vector<16xf32>
      %get3A_524 = arith.constant 1 : i32
      %get3A_525 = arith.index_cast %get3A_524 : i32 to index
      %get3A_526 = arith.index_cast %scan3A_499 : i32 to index
      %get3A_527 = arith.constant 16 : index
      %get3A_528 = tpu.vector_load %arg11[%get3A_525, %get3A_526, %get3A_527] {strides = array<i32>} : memref<20x128x32xf32, #tpu.memory_space<vmem>>, vector<1x1x16xf32>,
      %get3A_529 = vector.shape_cast %get3A_528 : vector<1x1x16xf32> to vector<16xf32>
      %add3A_530 = arith.addf %add3A_516, %get3A_529 : vector<16xf32>
      %get3A_531 = arith.constant 2 : i32
      %get3A_532 = arith.index_cast %get3A_531 : i32 to index
      %get3A_533 = arith.index_cast %scan3A_499 : i32 to index
      %get3A_534 = arith.constant 0 : index
      %get3A_535 = tpu.vector_load %arg11[%get3A_532, %get3A_533, %get3A_534] {strides = array<i32>} : memref<20x128x32xf32, #tpu.memory_space<vmem>>, vector<1x1x16xf32>,
      %get3A_536 = vector.shape_cast %get3A_535 : vector<1x1x16xf32> to vector<16xf32>
      %add3A_537 = arith.addf %add3A_523, %get3A_536 : vector<16xf32>
      %get3A_538 = arith.constant 2 : i32
      %get3A_539 = arith.index_cast %get3A_538 : i32 to index
      %get3A_540 = arith.index_cast %scan3A_499 : i32 to index
      %get3A_541 = arith.constant 16 : index
      %get3A_542 = tpu.vector_load %arg11[%get3A_539, %get3A_540, %get3A_541] {strides = array<i32>} : memref<20x128x32xf32, #tpu.memory_space<vmem>>, vector<1x1x16xf32>,
      %get3A_543 = vector.shape_cast %get3A_542 : vector<1x1x16xf32> to vector<16xf32>
      %add3A_544 = arith.addf %add3A_530, %get3A_543 : vector<16xf32>
      %get3A_545 = arith.constant 3 : i32
      %get3A_546 = arith.index_cast %get3A_545 : i32 to index
      %get3A_547 = arith.index_cast %scan3A_499 : i32 to index
      %get3A_548 = arith.constant 0 : index
      %get3A_549 = tpu.vector_load %arg11[%get3A_546, %get3A_547, %get3A_548] {strides = array<i32>} : memref<20x128x32xf32, #tpu.memory_space<vmem>>, vector<1x1x16xf32>,
      %get3A_550 = vector.shape_cast %get3A_549 : vector<1x1x16xf32> to vector<16xf32>
      %add3A_551 = arith.addf %add3A_537, %get3A_550 : vector<16xf32>
      %get3A_552 = arith.constant 3 : i32
      %get3A_553 = arith.index_cast %get3A_552 : i32 to index
      %get3A_554 = arith.index_cast %scan3A_499 : i32 to index
      %get3A_555 = arith.constant 16 : index
      %get3A_556 = tpu.vector_load %arg11[%get3A_553, %get3A_554, %get3A_555] {strides = array<i32>} : memref<20x128x32xf32, #tpu.memory_space<vmem>>, vector<1x1x16xf32>,
      %get3A_557 = vector.shape_cast %get3A_556 : vector<1x1x16xf32> to vector<16xf32>
      %add3A_558 = arith.addf %add3A_544, %get3A_557 : vector<16xf32>
      %get3A_559 = arith.constant 4 : i32
      %get3A_560 = arith.index_cast %get3A_559 : i32 to index
      %get3A_561 = arith.index_cast %scan3A_499 : i32 to index
      %get3A_562 = arith.constant 0 : index
      %get3A_563 = tpu.vector_load %arg11[%get3A_560, %get3A_561, %get3A_562] {strides = array<i32>} : memref<20x128x32xf32, #tpu.memory_space<vmem>>, vector<1x1x16xf32>,
      %get3A_564 = vector.shape_cast %get3A_563 : vector<1x1x16xf32> to vector<16xf32>
      %add3A_565 = arith.addf %add3A_551, %get3A_564 : vector<16xf32>
      %get3A_566 = arith.constant 4 : i32
      %get3A_567 = arith.index_cast %get3A_566 : i32 to index
      %get3A_568 = arith.index_cast %scan3A_499 : i32 to index
      %get3A_569 = arith.constant 16 : index
      %get3A_570 = tpu.vector_load %arg11[%get3A_567, %get3A_568, %get3A_569] {strides = array<i32>} : memref<20x128x32xf32, #tpu.memory_space<vmem>>, vector<1x1x16xf32>,
      %get3A_571 = vector.shape_cast %get3A_570 : vector<1x1x16xf32> to vector<16xf32>
      %add3A_572 = arith.addf %add3A_558, %get3A_571 : vector<16xf32>
      %get3A_573 = arith.constant 5 : i32
      %get3A_574 = arith.index_cast %get3A_573 : i32 to index
      %get3A_575 = arith.index_cast %scan3A_499 : i32 to index
      %get3A_576 = arith.constant 0 : index
      %get3A_577 = tpu.vector_load %arg11[%get3A_574, %get3A_575, %get3A_576] {strides = array<i32>} : memref<20x128x32xf32, #tpu.memory_space<vmem>>, vector<1x1x16xf32>,
      %get3A_578 = vector.shape_cast %get3A_577 : vector<1x1x16xf32> to vector<16xf32>
      %add3A_579 = arith.addf %add3A_565, %get3A_578 : vector<16xf32>
      %get3A_580 = arith.constant 5 : i32
      %get3A_581 = arith.index_cast %get3A_580 : i32 to index
      %get3A_582 = arith.index_cast %scan3A_499 : i32 to index
      %get3A_583 = arith.constant 16 : index
      %get3A_584 = tpu.vector_load %arg11[%get3A_581, %get3A_582, %get3A_583] {strides = array<i32>} : memref<20x128x32xf32, #tpu.memory_space<vmem>>, vector<1x1x16xf32>,
      %get3A_585 = vector.shape_cast %get3A_584 : vector<1x1x16xf32> to vector<16xf32>
      %add3A_586 = arith.addf %add3A_572, %get3A_585 : vector<16xf32>
      %get3A_587 = arith.constant 6 : i32
      %get3A_588 = arith.index_cast %get3A_587 : i32 to index
      %get3A_589 = arith.index_cast %scan3A_499 : i32 to index
      %get3A_590 = arith.constant 0 : index
      %get3A_591 = tpu.vector_load %arg11[%get3A_588, %get3A_589, %get3A_590] {strides = array<i32>} : memref<20x128x32xf32, #tpu.memory_space<vmem>>, vector<1x1x16xf32>,
      %get3A_592 = vector.shape_cast %get3A_591 : vector<1x1x16xf32> to vector<16xf32>
      %add3A_593 = arith.addf %add3A_579, %get3A_592 : vector<16xf32>
      %get3A_594 = arith.constant 6 : i32
      %get3A_595 = arith.index_cast %get3A_594 : i32 to index
      %get3A_596 = arith.index_cast %scan3A_499 : i32 to index
      %get3A_597 = arith.constant 16 : index
      %get3A_598 = tpu.vector_load %arg11[%get3A_595, %get3A_596, %get3A_597] {strides = array<i32>} : memref<20x128x32xf32, #tpu.memory_space<vmem>>, vector<1x1x16xf32>,
      %get3A_599 = vector.shape_cast %get3A_598 : vector<1x1x16xf32> to vector<16xf32>
      %add3A_600 = arith.addf %add3A_586, %get3A_599 : vector<16xf32>
      %get3A_601 = arith.constant 7 : i32
      %get3A_602 = arith.index_cast %get3A_601 : i32 to index
      %get3A_603 = arith.index_cast %scan3A_499 : i32 to index
      %get3A_604 = arith.constant 0 : index
      %get3A_605 = tpu.vector_load %arg11[%get3A_602, %get3A_603, %get3A_604] {strides = array<i32>} : memref<20x128x32xf32, #tpu.memory_space<vmem>>, vector<1x1x16xf32>,
      %get3A_606 = vector.shape_cast %get3A_605 : vector<1x1x16xf32> to vector<16xf32>
      %add3A_607 = arith.addf %add3A_593, %get3A_606 : vector<16xf32>
      %get3A_608 = arith.constant 7 : i32
      %get3A_609 = arith.index_cast %get3A_608 : i32 to index
      %get3A_610 = arith.index_cast %scan3A_499 : i32 to index
      %get3A_611 = arith.constant 16 : index
      %get3A_612 = tpu.vector_load %arg11[%get3A_609, %get3A_610, %get3A_611] {strides = array<i32>} : memref<20x128x32xf32, #tpu.memory_space<vmem>>, vector<1x1x16xf32>,
      %get3A_613 = vector.shape_cast %get3A_612 : vector<1x1x16xf32> to vector<16xf32>
      %add3A_614 = arith.addf %add3A_600, %get3A_613 : vector<16xf32>
      %get3A_615 = arith.constant 8 : i32
      %get3A_616 = arith.index_cast %get3A_615 : i32 to index
      %get3A_617 = arith.index_cast %scan3A_499 : i32 to index
      %get3A_618 = arith.constant 0 : index
      %get3A_619 = tpu.vector_load %arg11[%get3A_616, %get3A_617, %get3A_618] {strides = array<i32>} : memref<20x128x32xf32, #tpu.memory_space<vmem>>, vector<1x1x16xf32>,
      %get3A_620 = vector.shape_cast %get3A_619 : vector<1x1x16xf32> to vector<16xf32>
      %add3A_621 = arith.addf %add3A_607, %get3A_620 : vector<16xf32>
      %get3A_622 = arith.constant 8 : i32
      %get3A_623 = arith.index_cast %get3A_622 : i32 to index
      %get3A_624 = arith.index_cast %scan3A_499 : i32 to index
      %get3A_625 = arith.constant 16 : index
      %get3A_626 = tpu.vector_load %arg11[%get3A_623, %get3A_624, %get3A_625] {strides = array<i32>} : memref<20x128x32xf32, #tpu.memory_space<vmem>>, vector<1x1x16xf32>,
      %get3A_627 = vector.shape_cast %get3A_626 : vector<1x1x16xf32> to vector<16xf32>
      %add3A_628 = arith.addf %add3A_614, %get3A_627 : vector<16xf32>
      %get3A_629 = arith.constant 9 : i32
      %get3A_630 = arith.index_cast %get3A_629 : i32 to index
      %get3A_631 = arith.index_cast %scan3A_499 : i32 to index
      %get3A_632 = arith.constant 0 : index
      %get3A_633 = tpu.vector_load %arg11[%get3A_630, %get3A_631, %get3A_632] {strides = array<i32>} : memref<20x128x32xf32, #tpu.memory_space<vmem>>, vector<1x1x16xf32>,
      %get3A_634 = vector.shape_cast %get3A_633 : vector<1x1x16xf32> to vector<16xf32>
      %add3A_635 = arith.addf %add3A_621, %get3A_634 : vector<16xf32>
      %get3A_636 = arith.constant 9 : i32
      %get3A_637 = arith.index_cast %get3A_636 : i32 to index
      %get3A_638 = arith.index_cast %scan3A_499 : i32 to index
      %get3A_639 = arith.constant 16 : index
      %get3A_640 = tpu.vector_load %arg11[%get3A_637, %get3A_638, %get3A_639] {strides = array<i32>} : memref<20x128x32xf32, #tpu.memory_space<vmem>>, vector<1x1x16xf32>,
      %get3A_641 = vector.shape_cast %get3A_640 : vector<1x1x16xf32> to vector<16xf32>
      %add3A_642 = arith.addf %add3A_628, %get3A_641 : vector<16xf32>
      %get3A_643 = arith.constant 10 : i32
      %get3A_644 = arith.index_cast %get3A_643 : i32 to index
      %get3A_645 = arith.index_cast %scan3A_499 : i32 to index
      %get3A_646 = arith.constant 0 : index
      %get3A_647 = tpu.vector_load %arg11[%get3A_644, %get3A_645, %get3A_646] {strides = array<i32>} : memref<20x128x32xf32, #tpu.memory_space<vmem>>, vector<1x1x16xf32>,
      %get3A_648 = vector.shape_cast %get3A_647 : vector<1x1x16xf32> to vector<16xf32>
      %add3A_649 = arith.addf %add3A_635, %get3A_648 : vector<16xf32>
      %get3A_650 = arith.constant 10 : i32
      %get3A_651 = arith.index_cast %get3A_650 : i32 to index
      %get3A_652 = arith.index_cast %scan3A_499 : i32 to index
      %get3A_653 = arith.constant 16 : index
      %get3A_654 = tpu.vector_load %arg11[%get3A_651, %get3A_652, %get3A_653] {strides = array<i32>} : memref<20x128x32xf32, #tpu.memory_space<vmem>>, vector<1x1x16xf32>,
      %get3A_655 = vector.shape_cast %get3A_654 : vector<1x1x16xf32> to vector<16xf32>
      %add3A_656 = arith.addf %add3A_642, %get3A_655 : vector<16xf32>
      %get3A_657 = arith.constant 11 : i32
      %get3A_658 = arith.index_cast %get3A_657 : i32 to index
      %get3A_659 = arith.index_cast %scan3A_499 : i32 to index
      %get3A_660 = arith.constant 0 : index
      %get3A_661 = tpu.vector_load %arg11[%get3A_658, %get3A_659, %get3A_660] {strides = array<i32>} : memref<20x128x32xf32, #tpu.memory_space<vmem>>, vector<1x1x16xf32>,
      %get3A_662 = vector.shape_cast %get3A_661 : vector<1x1x16xf32> to vector<16xf32>
      %add3A_663 = arith.addf %add3A_649, %get3A_662 : vector<16xf32>
      %get3A_664 = arith.constant 11 : i32
      %get3A_665 = arith.index_cast %get3A_664 : i32 to index
      %get3A_666 = arith.index_cast %scan3A_499 : i32 to index
      %get3A_667 = arith.constant 16 : index
      %get3A_668 = tpu.vector_load %arg11[%get3A_665, %get3A_666, %get3A_667] {strides = array<i32>} : memref<20x128x32xf32, #tpu.memory_space<vmem>>, vector<1x1x16xf32>,
      %get3A_669 = vector.shape_cast %get3A_668 : vector<1x1x16xf32> to vector<16xf32>
      %add3A_670 = arith.addf %add3A_656, %get3A_669 : vector<16xf32>
      %get3A_671 = arith.constant 12 : i32
      %get3A_672 = arith.index_cast %get3A_671 : i32 to index
      %get3A_673 = arith.index_cast %scan3A_499 : i32 to index
      %get3A_674 = arith.constant 0 : index
      %get3A_675 = tpu.vector_load %arg11[%get3A_672, %get3A_673, %get3A_674] {strides = array<i32>} : memref<20x128x32xf32, #tpu.memory_space<vmem>>, vector<1x1x16xf32>,
      %get3A_676 = vector.shape_cast %get3A_675 : vector<1x1x16xf32> to vector<16xf32>
      %add3A_677 = arith.addf %add3A_663, %get3A_676 : vector<16xf32>
      %get3A_678 = arith.constant 12 : i32
      %get3A_679 = arith.index_cast %get3A_678 : i32 to index
      %get3A_680 = arith.index_cast %scan3A_499 : i32 to index
      %get3A_681 = arith.constant 16 : index
      %get3A_682 = tpu.vector_load %arg11[%get3A_679, %get3A_680, %get3A_681] {strides = array<i32>} : memref<20x128x32xf32, #tpu.memory_space<vmem>>, vector<1x1x16xf32>,
      %get3A_683 = vector.shape_cast %get3A_682 : vector<1x1x16xf32> to vector<16xf32>
      %add3A_684 = arith.addf %add3A_670, %get3A_683 : vector<16xf32>
      %get3A_685 = arith.constant 13 : i32
      %get3A_686 = arith.index_cast %get3A_685 : i32 to index
      %get3A_687 = arith.index_cast %scan3A_499 : i32 to index
      %get3A_688 = arith.constant 0 : index
      %get3A_689 = tpu.vector_load %arg11[%get3A_686, %get3A_687, %get3A_688] {strides = array<i32>} : memref<20x128x32xf32, #tpu.memory_space<vmem>>, vector<1x1x16xf32>,
      %get3A_690 = vector.shape_cast %get3A_689 : vector<1x1x16xf32> to vector<16xf32>
      %add3A_691 = arith.addf %add3A_677, %get3A_690 : vector<16xf32>
      %get3A_692 = arith.constant 13 : i32
      %get3A_693 = arith.index_cast %get3A_692 : i32 to index
      %get3A_694 = arith.index_cast %scan3A_499 : i32 to index
      %get3A_695 = arith.constant 16 : index
      %get3A_696 = tpu.vector_load %arg11[%get3A_693, %get3A_694, %get3A_695] {strides = array<i32>} : memref<20x128x32xf32, #tpu.memory_space<vmem>>, vector<1x1x16xf32>,
      %get3A_697 = vector.shape_cast %get3A_696 : vector<1x1x16xf32> to vector<16xf32>
      %add3A_698 = arith.addf %add3A_684, %get3A_697 : vector<16xf32>
      %get3A_699 = arith.constant 14 : i32
      %get3A_700 = arith.index_cast %get3A_699 : i32 to index
      %get3A_701 = arith.index_cast %scan3A_499 : i32 to index
      %get3A_702 = arith.constant 0 : index
      %get3A_703 = tpu.vector_load %arg11[%get3A_700, %get3A_701, %get3A_702] {strides = array<i32>} : memref<20x128x32xf32, #tpu.memory_space<vmem>>, vector<1x1x16xf32>,
      %get3A_704 = vector.shape_cast %get3A_703 : vector<1x1x16xf32> to vector<16xf32>
      %add3A_705 = arith.addf %add3A_691, %get3A_704 : vector<16xf32>
      %get3A_706 = arith.constant 14 : i32
      %get3A_707 = arith.index_cast %get3A_706 : i32 to index
      %get3A_708 = arith.index_cast %scan3A_499 : i32 to index
      %get3A_709 = arith.constant 16 : index
      %get3A_710 = tpu.vector_load %arg11[%get3A_707, %get3A_708, %get3A_709] {strides = array<i32>} : memref<20x128x32xf32, #tpu.memory_space<vmem>>, vector<1x1x16xf32>,
      %get3A_711 = vector.shape_cast %get3A_710 : vector<1x1x16xf32> to vector<16xf32>
      %add3A_712 = arith.addf %add3A_698, %get3A_711 : vector<16xf32>
      %get3A_713 = arith.constant 15 : i32
      %get3A_714 = arith.index_cast %get3A_713 : i32 to index
      %get3A_715 = arith.index_cast %scan3A_499 : i32 to index
      %get3A_716 = arith.constant 0 : index
      %get3A_717 = tpu.vector_load %arg11[%get3A_714, %get3A_715, %get3A_716] {strides = array<i32>} : memref<20x128x32xf32, #tpu.memory_space<vmem>>, vector<1x1x16xf32>,
      %get3A_718 = vector.shape_cast %get3A_717 : vector<1x1x16xf32> to vector<16xf32>
      %add3A_719 = arith.addf %add3A_705, %get3A_718 : vector<16xf32>
      %get3A_720 = arith.constant 15 : i32
      %get3A_721 = arith.index_cast %get3A_720 : i32 to index
      %get3A_722 = arith.index_cast %scan3A_499 : i32 to index
      %get3A_723 = arith.constant 16 : index
      %get3A_724 = tpu.vector_load %arg11[%get3A_721, %get3A_722, %get3A_723] {strides = array<i32>} : memref<20x128x32xf32, #tpu.memory_space<vmem>>, vector<1x1x16xf32>,
      %get3A_725 = vector.shape_cast %get3A_724 : vector<1x1x16xf32> to vector<16xf32>
      %add3A_726 = arith.addf %add3A_712, %get3A_725 : vector<16xf32>
      %get3A_727 = arith.constant 16 : i32
      %get3A_728 = arith.index_cast %get3A_727 : i32 to index
      %get3A_729 = arith.index_cast %scan3A_499 : i32 to index
      %get3A_730 = arith.constant 0 : index
      %get3A_731 = tpu.vector_load %arg11[%get3A_728, %get3A_729, %get3A_730] {strides = array<i32>} : memref<20x128x32xf32, #tpu.memory_space<vmem>>, vector<1x1x16xf32>,
      %get3A_732 = vector.shape_cast %get3A_731 : vector<1x1x16xf32> to vector<16xf32>
      %add3A_733 = arith.addf %add3A_719, %get3A_732 : vector<16xf32>
      %get3A_734 = arith.constant 16 : i32
      %get3A_735 = arith.index_cast %get3A_734 : i32 to index
      %get3A_736 = arith.index_cast %scan3A_499 : i32 to index
      %get3A_737 = arith.constant 16 : index
      %get3A_738 = tpu.vector_load %arg11[%get3A_735, %get3A_736, %get3A_737] {strides = array<i32>} : memref<20x128x32xf32, #tpu.memory_space<vmem>>, vector<1x1x16xf32>,
      %get3A_739 = vector.shape_cast %get3A_738 : vector<1x1x16xf32> to vector<16xf32>
      %add3A_740 = arith.addf %add3A_726, %get3A_739 : vector<16xf32>
      %get3A_741 = arith.constant 17 : i32
      %get3A_742 = arith.index_cast %get3A_741 : i32 to index
      %get3A_743 = arith.index_cast %scan3A_499 : i32 to index
      %get3A_744 = arith.constant 0 : index
      %get3A_745 = tpu.vector_load %arg11[%get3A_742, %get3A_743, %get3A_744] {strides = array<i32>} : memref<20x128x32xf32, #tpu.memory_space<vmem>>, vector<1x1x16xf32>,
      %get3A_746 = vector.shape_cast %get3A_745 : vector<1x1x16xf32> to vector<16xf32>
      %add3A_747 = arith.addf %add3A_733, %get3A_746 : vector<16xf32>
      %get3A_748 = arith.constant 17 : i32
      %get3A_749 = arith.index_cast %get3A_748 : i32 to index
      %get3A_750 = arith.index_cast %scan3A_499 : i32 to index
      %get3A_751 = arith.constant 16 : index
      %get3A_752 = tpu.vector_load %arg11[%get3A_749, %get3A_750, %get3A_751] {strides = array<i32>} : memref<20x128x32xf32, #tpu.memory_space<vmem>>, vector<1x1x16xf32>,
      %get3A_753 = vector.shape_cast %get3A_752 : vector<1x1x16xf32> to vector<16xf32>
      %add3A_754 = arith.addf %add3A_740, %get3A_753 : vector<16xf32>
      %get3A_755 = arith.constant 18 : i32
      %get3A_756 = arith.index_cast %get3A_755 : i32 to index
      %get3A_757 = arith.index_cast %scan3A_499 : i32 to index
      %get3A_758 = arith.constant 0 : index
      %get3A_759 = tpu.vector_load %arg11[%get3A_756, %get3A_757, %get3A_758] {strides = array<i32>} : memref<20x128x32xf32, #tpu.memory_space<vmem>>, vector<1x1x16xf32>,
      %get3A_760 = vector.shape_cast %get3A_759 : vector<1x1x16xf32> to vector<16xf32>
      %add3A_761 = arith.addf %add3A_747, %get3A_760 : vector<16xf32>
      %get3A_762 = arith.constant 18 : i32
      %get3A_763 = arith.index_cast %get3A_762 : i32 to index
      %get3A_764 = arith.index_cast %scan3A_499 : i32 to index
      %get3A_765 = arith.constant 16 : index
      %get3A_766 = tpu.vector_load %arg11[%get3A_763, %get3A_764, %get3A_765] {strides = array<i32>} : memref<20x128x32xf32, #tpu.memory_space<vmem>>, vector<1x1x16xf32>,
      %get3A_767 = vector.shape_cast %get3A_766 : vector<1x1x16xf32> to vector<16xf32>
      %add3A_768 = arith.addf %add3A_754, %get3A_767 : vector<16xf32>
      %get3A_769 = arith.constant 19 : i32
      %get3A_770 = arith.index_cast %get3A_769 : i32 to index
      %get3A_771 = arith.index_cast %scan3A_499 : i32 to index
      %get3A_772 = arith.constant 0 : index
      %get3A_773 = tpu.vector_load %arg11[%get3A_770, %get3A_771, %get3A_772] {strides = array<i32>} : memref<20x128x32xf32, #tpu.memory_space<vmem>>, vector<1x1x16xf32>,
      %get3A_774 = vector.shape_cast %get3A_773 : vector<1x1x16xf32> to vector<16xf32>
      %add3A_775 = arith.addf %add3A_761, %get3A_774 : vector<16xf32>
      %get3A_776 = arith.constant 19 : i32
      %get3A_777 = arith.index_cast %get3A_776 : i32 to index
      %get3A_778 = arith.index_cast %scan3A_499 : i32 to index
      %get3A_779 = arith.constant 16 : index
      %get3A_780 = tpu.vector_load %arg11[%get3A_777, %get3A_778, %get3A_779] {strides = array<i32>} : memref<20x128x32xf32, #tpu.memory_space<vmem>>, vector<1x1x16xf32>,
      %get3A_781 = vector.shape_cast %get3A_780 : vector<1x1x16xf32> to vector<16xf32>
      %add3A_782 = arith.addf %add3A_768, %get3A_781 : vector<16xf32>
      %swap3A = arith.index_cast %scan3A_499 : i32 to index
      %swap3A_783 = arith.constant 0 : index
      %swap3A_784 = tpu.vector_load %arg12[%swap3A, %swap3A_783] {strides = array<i32>} : memref<128x32xf32, #tpu.memory_space<vmem>>, vector<1x16xf32>,
      %swap3A_785 = vector.shape_cast %swap3A_784 : vector<1x16xf32> to vector<16xf32>
      %swap3A_786 = vector.shape_cast %add3A_775 : vector<16xf32> to vector<1x16xf32>
      tpu.vector_store %arg12[%swap3A, %swap3A_783], %swap3A_786 {strides = array<i32>} : memref<128x32xf32, #tpu.memory_space<vmem>>, vector<1x16xf32>,
      %swap3A_787 = arith.index_cast %scan3A_499 : i32 to index
      %swap3A_788 = arith.constant 16 : index
      %swap3A_789 = tpu.vector_load %arg12[%swap3A_787, %swap3A_788] {strides = array<i32>} : memref<128x32xf32, #tpu.memory_space<vmem>>, vector<1x16xf32>,
      %swap3A_790 = vector.shape_cast %swap3A_789 : vector<1x16xf32> to vector<16xf32>
      %swap3A_791 = vector.shape_cast %add3A_782 : vector<16xf32> to vector<1x16xf32>
      tpu.vector_store %arg12[%swap3A_787, %swap3A_788], %swap3A_791 {strides = array<i32>} : memref<128x32xf32, #tpu.memory_space<vmem>>, vector<1x16xf32>,
      %scan3A_792 = arith.constant 0 : i32
      scf.yield %scan3A_792 : i32
    }
    %scan3A_486 = arith.constant 128 : i32
    "tpu.region"() ({
      %run_scoped3A = tpu.sem_alloc : memref<!tpu.dma_semaphore, #tpu.memory_space<semaphore_mem>>
      %dma_start3A_499 = arith.constant 0 : i32
      %dma_start3A_500 = tpu.memref_slice %arg7[%mul3A_2, %dma_start3A_499] : memref<4096x32xf32, #tpu.memory_space<hbm>> -> memref<128x32xf32, #tpu.memory_space<hbm>>
      %dma_start3A_501 = arith.constant 0 : i32
      %dma_start3A_502 = tpu.memref_slice %arg7[%mul3A_2, %dma_start3A_501] : memref<4096x32xf32, #tpu.memory_space<hbm>> -> memref<128x32xf32, #tpu.memory_space<hbm>>
      tpu.enqueue_dma source(%arg12 : memref<128x32xf32, #tpu.memory_space<vmem>>) target(%dma_start3A_502 : memref<128x32xf32, #tpu.memory_space<hbm>>) target_semaphore(%run_scoped3A : memref<!tpu.dma_semaphore, #tpu.memory_space<semaphore_mem>>)
      %dma_wait3A_503 = arith.constant 0 : i32
      %dma_wait3A_504 = tpu.memref_slice %arg7[%mul3A_2, %dma_wait3A_503] : memref<4096x32xf32, #tpu.memory_space<hbm>> -> memref<128x32xf32, #tpu.memory_space<hbm>>
      %dma_wait3A_505 = arith.constant 0 : i32
      %dma_wait3A_506 = tpu.memref_slice %arg7[%mul3A_2, %dma_wait3A_505] : memref<4096x32xf32, #tpu.memory_space<hbm>> -> memref<128x32xf32, #tpu.memory_space<hbm>>
      tpu.wait_dma2 semaphore(%run_scoped3A : memref<!tpu.dma_semaphore, #tpu.memory_space<semaphore_mem>>) src(%arg12 : memref<128x32xf32, #tpu.memory_space<vmem>>) dst(%dma_wait3A_506 : memref<128x32xf32, #tpu.memory_space<hbm>>)
      tpu.yield
    }) : () -> ()
    "tpu.region"() ({
      %run_scoped3A = tpu.sem_alloc : memref<!tpu.dma_semaphore, #tpu.memory_space<semaphore_mem>>
      %dma_start3A_499 = tpu.memref_slice %arg3[%mul3A_2] : memref<4096xi32, #tpu.memory_space<hbm>> -> memref<128xi32, #tpu.memory_space<hbm>>
      %dma_start3A_500 = tpu.memref_slice %arg3[%mul3A_2] : memref<4096xi32, #tpu.memory_space<hbm>> -> memref<128xi32, #tpu.memory_space<hbm>>
      tpu.enqueue_dma source(%dma_start3A_500 : memref<128xi32, #tpu.memory_space<hbm>>) target(%arg13 : memref<128xi32, #tpu.memory_space<vmem>>) target_semaphore(%run_scoped3A : memref<!tpu.dma_semaphore, #tpu.memory_space<semaphore_mem>>)
      %dma_wait3A_501 = tpu.memref_slice %arg3[%mul3A_2] : memref<4096xi32, #tpu.memory_space<hbm>> -> memref<128xi32, #tpu.memory_space<hbm>>
      %dma_wait3A_502 = tpu.memref_slice %arg3[%mul3A_2] : memref<4096xi32, #tpu.memory_space<hbm>> -> memref<128xi32, #tpu.memory_space<hbm>>
      tpu.wait_dma2 semaphore(%run_scoped3A : memref<!tpu.dma_semaphore, #tpu.memory_space<semaphore_mem>>) src(%dma_wait3A_502 : memref<128xi32, #tpu.memory_space<hbm>>) dst(%arg13 : memref<128xi32, #tpu.memory_space<vmem>>)
      tpu.yield
    }) : () -> ()
    %dma_start3A_487 = arith.constant 0 : i32
    %dma_start3A_488 = arith.constant 0 : i32
    %dma_start3A_489 = tpu.memref_slice %arg5[%dma_start3A_487, %dma_start3A_488] : memref<100000x32xf32, #tpu.memory_space<hbm>> -> memref<100000x32xf32, #tpu.memory_space<hbm>>
    tpu.enqueue_indirect_dma source(%dma_start3A_489 : memref<100000x32xf32, #tpu.memory_space<hbm>>) target(%arg14 : memref<128x32xf32, #tpu.memory_space<vmem>>) offsets(%arg13 : memref<128xi32, #tpu.memory_space<vmem>>) semaphore(%arg16 : memref<!tpu.dma_semaphore, #tpu.memory_space<semaphore_mem>>)
    %dma_wait3A_490 = arith.constant 0 : i32
    %dma_wait3A_491 = arith.constant 0 : i32
    %dma_wait3A_492 = tpu.memref_slice %arg5[%dma_wait3A_490, %dma_wait3A_491] : memref<100000x32xf32, #tpu.memory_space<hbm>> -> memref<100000x32xf32, #tpu.memory_space<hbm>>
    tpu.wait_indirect_dma semaphore(%arg16 : memref<!tpu.dma_semaphore, #tpu.memory_space<semaphore_mem>>) src(%dma_wait3A_492 : memref<100000x32xf32, #tpu.memory_space<hbm>>) dst(%arg14 : memref<128x32xf32, #tpu.memory_space<vmem>>)
    %dma_start3A_493 = arith.constant 0 : i32
    %dma_start3A_494 = arith.constant 0 : i32
    %dma_start3A_495 = tpu.memref_slice %arg6[%dma_start3A_493, %dma_start3A_494] : memref<100000x1xf32, #tpu.memory_space<hbm>> -> memref<100000x1xf32, #tpu.memory_space<hbm>>
    tpu.enqueue_indirect_dma source(%dma_start3A_495 : memref<100000x1xf32, #tpu.memory_space<hbm>>) target(%arg15 : memref<128x1xf32, #tpu.memory_space<vmem>>) offsets(%arg13 : memref<128xi32, #tpu.memory_space<vmem>>) semaphore(%arg16 : memref<!tpu.dma_semaphore, #tpu.memory_space<semaphore_mem>>)
    %dma_wait3A_496 = arith.constant 0 : i32
    %dma_wait3A_497 = arith.constant 0 : i32
    %dma_wait3A_498 = tpu.memref_slice %arg6[%dma_wait3A_496, %dma_wait3A_497] : memref<100000x1xf32, #tpu.memory_space<hbm>> -> memref<100000x1xf32, #tpu.memory_space<hbm>>
    tpu.wait_indirect_dma semaphore(%arg16 : memref<!tpu.dma_semaphore, #tpu.memory_space<semaphore_mem>>) src(%dma_wait3A_498 : memref<100000x1xf32, #tpu.memory_space<hbm>>) dst(%arg15 : memref<128x1xf32, #tpu.memory_space<vmem>>)
    "tpu.region"() ({
      %run_scoped3A = tpu.sem_alloc : memref<!tpu.dma_semaphore, #tpu.memory_space<semaphore_mem>>
      %dma_start3A_499 = arith.constant 0 : i32
      %dma_start3A_500 = tpu.memref_slice %arg8[%mul3A_2, %dma_start3A_499] : memref<4096x32xf32, #tpu.memory_space<hbm>> -> memref<128x32xf32, #tpu.memory_space<hbm>>
      %dma_start3A_501 = arith.constant 0 : i32
      %dma_start3A_502 = tpu.memref_slice %arg8[%mul3A_2, %dma_start3A_501] : memref<4096x32xf32, #tpu.memory_space<hbm>> -> memref<128x32xf32, #tpu.memory_space<hbm>>
      tpu.enqueue_dma source(%arg14 : memref<128x32xf32, #tpu.memory_space<vmem>>) target(%dma_start3A_502 : memref<128x32xf32, #tpu.memory_space<hbm>>) target_semaphore(%run_scoped3A : memref<!tpu.dma_semaphore, #tpu.memory_space<semaphore_mem>>)
      %dma_wait3A_503 = arith.constant 0 : i32
      %dma_wait3A_504 = tpu.memref_slice %arg8[%mul3A_2, %dma_wait3A_503] : memref<4096x32xf32, #tpu.memory_space<hbm>> -> memref<128x32xf32, #tpu.memory_space<hbm>>
      %dma_wait3A_505 = arith.constant 0 : i32
      %dma_wait3A_506 = tpu.memref_slice %arg8[%mul3A_2, %dma_wait3A_505] : memref<4096x32xf32, #tpu.memory_space<hbm>> -> memref<128x32xf32, #tpu.memory_space<hbm>>
      tpu.wait_dma2 semaphore(%run_scoped3A : memref<!tpu.dma_semaphore, #tpu.memory_space<semaphore_mem>>) src(%arg14 : memref<128x32xf32, #tpu.memory_space<vmem>>) dst(%dma_wait3A_506 : memref<128x32xf32, #tpu.memory_space<hbm>>)
      tpu.yield
    }) : () -> ()
    "tpu.region"() ({
      %run_scoped3A = tpu.sem_alloc : memref<!tpu.dma_semaphore, #tpu.memory_space<semaphore_mem>>
      %dma_start3A_499 = arith.constant 0 : i32
      %dma_start3A_500 = tpu.memref_slice %arg9[%mul3A_2, %dma_start3A_499] : memref<4096x1xf32, #tpu.memory_space<hbm>> -> memref<128x1xf32, #tpu.memory_space<hbm>>
      %dma_start3A_501 = arith.constant 0 : i32
      %dma_start3A_502 = tpu.memref_slice %arg9[%mul3A_2, %dma_start3A_501] : memref<4096x1xf32, #tpu.memory_space<hbm>> -> memref<128x1xf32, #tpu.memory_space<hbm>>
      tpu.enqueue_dma source(%arg15 : memref<128x1xf32, #tpu.memory_space<vmem>>) target(%dma_start3A_502 : memref<128x1xf32, #tpu.memory_space<hbm>>) target_semaphore(%run_scoped3A : memref<!tpu.dma_semaphore, #tpu.memory_space<semaphore_mem>>)
      %dma_wait3A_503 = arith.constant 0 : i32
      %dma_wait3A_504 = tpu.memref_slice %arg9[%mul3A_2, %dma_wait3A_503] : memref<4096x1xf32, #tpu.memory_space<hbm>> -> memref<128x1xf32, #tpu.memory_space<hbm>>
      %dma_wait3A_505 = arith.constant 0 : i32
      %dma_wait3A_506 = tpu.memref_slice %arg9[%mul3A_2, %dma_wait3A_505] : memref<4096x1xf32, #tpu.memory_space<hbm>> -> memref<128x1xf32, #tpu.memory_space<hbm>>
      tpu.wait_dma2 semaphore(%run_scoped3A : memref<!tpu.dma_semaphore, #tpu.memory_space<semaphore_mem>>) src(%arg15 : memref<128x1xf32, #tpu.memory_space<vmem>>) dst(%dma_wait3A_506 : memref<128x1xf32, #tpu.memory_space<hbm>>)
      tpu.yield
    }) : () -> ()
    return
  }
}

module attributes {stable_mosaic.version = 14 : i64} {
  func.func @_tc_lse_body(%arg0: i32, %arg1: i32, %arg2: memref<1024x33xbf16, #tpu.memory_space<vmem>>, %arg3: memref<4096x32xf32, #tpu.memory_space<vmem>>, %arg4: memref<1x4096xbf16, #tpu.memory_space<vmem>>, %arg5: memref<1024x33xf32, #tpu.memory_space<vmem>>, %arg6: memref<1x1xf32, #tpu.memory_space<vmem>>, %arg7: memref<1024x128xbf16, #tpu.memory_space<vmem>>, %arg8: memref<1024x128xf32, #tpu.memory_space<vmem>>, %arg9: memref<1x1xf32, #tpu.memory_space<smem>>) attributes {dimension_semantics = [#tpu.dimension_semantics<arbitrary>, #tpu.dimension_semantics<arbitrary>], iteration_bounds = array<i64: 4, 25>, scalar_prefetch = 0 : i64, scratch_operands = 3 : i64, tpu.core_type = #tpu.core_type<tc>, window_params = [{transform_indices = @transform_0, window_bounds = array<i64: 1024, 33>}, {transform_indices = @transform_1, window_bounds = array<i64: 4096, 32>}, {transform_indices = @transform_2, window_bounds = array<i64: 1, 4096>}, {transform_indices = @transform_3, window_bounds = array<i64: 1024, 33>}, {pipeline_mode = #tpu.pipeline_mode<synchronous>, transform_indices = @transform_4, window_bounds = array<i64: 1, 1>}]} {
    %eq3A = arith.constant 0 : i32
    %eq3A_0 = arith.cmpi eq, %arg1, %eq3A : i32
    %convert_element_type3A = arith.extui %eq3A_0 : i1 to i32
    %cond3A = arith.constant 0 : i32
    %cond3A_1 = arith.cmpi ne, %convert_element_type3A, %cond3A : i32
    scf.if %cond3A_1 {
      %broadcast_in_dim3A_634 = arith.constant 0xFF80 : bf16
      %broadcast_in_dim3A_635 = vector.broadcast %broadcast_in_dim3A_634 : bf16 to vector<1024x128xbf16>
      %swap3A_636 = arith.constant 0 : index
      %swap3A_637 = arith.constant 0 : index
      %swap3A_638 = vector.load %arg7[%swap3A_636, %swap3A_637] : memref<1024x128xbf16, #tpu.memory_space<vmem>>, vector<1024x128xbf16>
      tpu.vector_store %arg7[%swap3A_636, %swap3A_637], %broadcast_in_dim3A_635 {strides = array<i32>} : memref<1024x128xbf16, #tpu.memory_space<vmem>>, vector<1024x128xbf16>,
      %broadcast_in_dim3A_639 = arith.constant 0.000000e+00 : f32
      %broadcast_in_dim3A_640 = vector.broadcast %broadcast_in_dim3A_639 : f32 to vector<1024x128xf32>
      %swap3A_641 = arith.constant 0 : index
      %swap3A_642 = arith.constant 0 : index
      %swap3A_643 = vector.load %arg8[%swap3A_641, %swap3A_642] : memref<1024x128xf32, #tpu.memory_space<vmem>>, vector<1024x128xf32>
      tpu.vector_store %arg8[%swap3A_641, %swap3A_642], %broadcast_in_dim3A_640 {strides = array<i32>} : memref<1024x128xf32, #tpu.memory_space<vmem>>, vector<1024x128xf32>,
    } else {
    }
    %get3A = arith.constant 0 : index
    %get3A_2 = arith.constant 0 : index
    %get3A_3 = vector.load %arg2[%get3A, %get3A_2] : memref<1024x33xbf16, #tpu.memory_space<vmem>>, vector<1024x33xbf16>
    %slice3A = vector.extract_strided_slice %get3A_3 {offsets = [0, 0], sizes = [1024, 32], strides = [1, 1]} : vector<1024x33xbf16> to vector<1024x32xbf16>
    %get3A_4 = arith.constant 0 : index
    %get3A_5 = arith.constant 0 : index
    %get3A_6 = vector.load %arg3[%get3A_4, %get3A_5] : memref<4096x32xf32, #tpu.memory_space<vmem>>, vector<4096x32xf32>
    %convert_element_type3A_7 = arith.truncf %get3A_6 : vector<4096x32xf32> to vector<4096x32xbf16>
    %dot_general3A = arith.constant dense<0.000000e+00> : vector<1024x4096xf32>
    %dot_general3A_8 = tpu.matmul %slice3A, %convert_element_type3A_7, %dot_general3A {dimension_numbers = #tpu.dot_dimension_numbers<[1], [1], [0], [0], [0, 0, 1, 0], [], []>, transpose_lhs_hint = false} : vector<1024x32xbf16>, vector<4096x32xbf16>, vector<1024x4096xf32> -> vector<1024x4096xf32>
    %convert_element_type3A_9 = arith.truncf %dot_general3A_8 : vector<1024x4096xf32> to vector<1024x4096xbf16>
    %get3A_10 = arith.constant 0 : index
    %get3A_11 = arith.constant 0 : index
    %get3A_12 = vector.load %arg7[%get3A_10, %get3A_11] : memref<1024x128xbf16, #tpu.memory_space<vmem>>, vector<1024x128xbf16>
    %mul3A = arith.constant 4096 : i32
    %mul3A_13 = arith.muli %arg1, %mul3A : i32
    %sub3A = arith.constant 100000 : i32
    %sub3A_14 = arith.subi %sub3A, %mul3A_13 : i32
    %iota3A = tpu.iota {dimensions = array<i32: 1>} : vector<1x128xi32>
    %slice3A_15 = vector.extract_strided_slice %convert_element_type3A_9 {offsets = [0, 0], sizes = [1024, 128], strides = [1, 1]} : vector<1024x4096xbf16> to vector<1024x128xbf16>
    %get3A_16 = arith.constant 0 : index
    %get3A_17 = arith.constant 0 : index
    %get3A_18 = vector.load %arg4[%get3A_16, %get3A_17] : memref<1x4096xbf16, #tpu.memory_space<vmem>>, vector<1x128xbf16>
    %add3A = vector.broadcast %get3A_18 : vector<1x128xbf16> to vector<1024x128xbf16>
    %add3A_19 = arith.addf %slice3A_15, %add3A : vector<1024x128xbf16>
    %sub3A_20 = arith.constant 0 : i32
    %sub3A_21 = arith.subi %sub3A_14, %sub3A_20 : i32
    %lt3A = vector.broadcast %sub3A_21 : i32 to vector<1x128xi32>
    %lt3A_22 = arith.cmpi slt, %iota3A, %lt3A : vector<1x128xi32>
    %jit3A = arith.constant 0xFF80 : bf16
    %broadcast_in_dim3A = vector.shape_cast %lt3A_22 : vector<1x128xi1> to vector<1x128xi1>
    %broadcast_in_dim3A_23 = vector.broadcast %broadcast_in_dim3A : vector<1x128xi1> to vector<1024x128xi1>
    %broadcast_in_dim3A_24 = vector.broadcast %jit3A : bf16 to vector<1024x128xbf16>
    %select_n3A = arith.select %broadcast_in_dim3A_23, %add3A_19, %broadcast_in_dim3A_24 : vector<1024x128xi1>, vector<1024x128xbf16>
    %max3A = arith.maximumf %get3A_12, %select_n3A : vector<1024x128xbf16>
    %slice3A_25 = vector.extract_strided_slice %convert_element_type3A_9 {offsets = [0, 128], sizes = [1024, 128], strides = [1, 1]} : vector<1024x4096xbf16> to vector<1024x128xbf16>
    %get3A_26 = arith.constant 0 : index
    %get3A_27 = arith.constant 128 : index
    %get3A_28 = vector.load %arg4[%get3A_26, %get3A_27] : memref<1x4096xbf16, #tpu.memory_space<vmem>>, vector<1x128xbf16>
    %add3A_29 = vector.broadcast %get3A_28 : vector<1x128xbf16> to vector<1024x128xbf16>
    %add3A_30 = arith.addf %slice3A_25, %add3A_29 : vector<1024x128xbf16>
    %sub3A_31 = arith.constant 128 : i32
    %sub3A_32 = arith.subi %sub3A_14, %sub3A_31 : i32
    %lt3A_33 = vector.broadcast %sub3A_32 : i32 to vector<1x128xi32>
    %lt3A_34 = arith.cmpi slt, %iota3A, %lt3A_33 : vector<1x128xi32>
    %jit3A_35 = arith.constant 0xFF80 : bf16
    %broadcast_in_dim3A_36 = vector.shape_cast %lt3A_34 : vector<1x128xi1> to vector<1x128xi1>
    %broadcast_in_dim3A_37 = vector.broadcast %broadcast_in_dim3A_36 : vector<1x128xi1> to vector<1024x128xi1>
    %broadcast_in_dim3A_38 = vector.broadcast %jit3A_35 : bf16 to vector<1024x128xbf16>
    %select_n3A_39 = arith.select %broadcast_in_dim3A_37, %add3A_30, %broadcast_in_dim3A_38 : vector<1024x128xi1>, vector<1024x128xbf16>
    %max3A_40 = arith.maximumf %max3A, %select_n3A_39 : vector<1024x128xbf16>
    %slice3A_41 = vector.extract_strided_slice %convert_element_type3A_9 {offsets = [0, 256], sizes = [1024, 128], strides = [1, 1]} : vector<1024x4096xbf16> to vector<1024x128xbf16>
    %get3A_42 = arith.constant 0 : index
    %get3A_43 = arith.constant 256 : index
    %get3A_44 = vector.load %arg4[%get3A_42, %get3A_43] : memref<1x4096xbf16, #tpu.memory_space<vmem>>, vector<1x128xbf16>
    %add3A_45 = vector.broadcast %get3A_44 : vector<1x128xbf16> to vector<1024x128xbf16>
    %add3A_46 = arith.addf %slice3A_41, %add3A_45 : vector<1024x128xbf16>
    %sub3A_47 = arith.constant 256 : i32
    %sub3A_48 = arith.subi %sub3A_14, %sub3A_47 : i32
    %lt3A_49 = vector.broadcast %sub3A_48 : i32 to vector<1x128xi32>
    %lt3A_50 = arith.cmpi slt, %iota3A, %lt3A_49 : vector<1x128xi32>
    %jit3A_51 = arith.constant 0xFF80 : bf16
    %broadcast_in_dim3A_52 = vector.shape_cast %lt3A_50 : vector<1x128xi1> to vector<1x128xi1>
    %broadcast_in_dim3A_53 = vector.broadcast %broadcast_in_dim3A_52 : vector<1x128xi1> to vector<1024x128xi1>
    %broadcast_in_dim3A_54 = vector.broadcast %jit3A_51 : bf16 to vector<1024x128xbf16>
    %select_n3A_55 = arith.select %broadcast_in_dim3A_53, %add3A_46, %broadcast_in_dim3A_54 : vector<1024x128xi1>, vector<1024x128xbf16>
    %max3A_56 = arith.maximumf %max3A_40, %select_n3A_55 : vector<1024x128xbf16>
    %slice3A_57 = vector.extract_strided_slice %convert_element_type3A_9 {offsets = [0, 384], sizes = [1024, 128], strides = [1, 1]} : vector<1024x4096xbf16> to vector<1024x128xbf16>
    %get3A_58 = arith.constant 0 : index
    %get3A_59 = arith.constant 384 : index
    %get3A_60 = vector.load %arg4[%get3A_58, %get3A_59] : memref<1x4096xbf16, #tpu.memory_space<vmem>>, vector<1x128xbf16>
    %add3A_61 = vector.broadcast %get3A_60 : vector<1x128xbf16> to vector<1024x128xbf16>
    %add3A_62 = arith.addf %slice3A_57, %add3A_61 : vector<1024x128xbf16>
    %sub3A_63 = arith.constant 384 : i32
    %sub3A_64 = arith.subi %sub3A_14, %sub3A_63 : i32
    %lt3A_65 = vector.broadcast %sub3A_64 : i32 to vector<1x128xi32>
    %lt3A_66 = arith.cmpi slt, %iota3A, %lt3A_65 : vector<1x128xi32>
    %jit3A_67 = arith.constant 0xFF80 : bf16
    %broadcast_in_dim3A_68 = vector.shape_cast %lt3A_66 : vector<1x128xi1> to vector<1x128xi1>
    %broadcast_in_dim3A_69 = vector.broadcast %broadcast_in_dim3A_68 : vector<1x128xi1> to vector<1024x128xi1>
    %broadcast_in_dim3A_70 = vector.broadcast %jit3A_67 : bf16 to vector<1024x128xbf16>
    %select_n3A_71 = arith.select %broadcast_in_dim3A_69, %add3A_62, %broadcast_in_dim3A_70 : vector<1024x128xi1>, vector<1024x128xbf16>
    %max3A_72 = arith.maximumf %max3A_56, %select_n3A_71 : vector<1024x128xbf16>
    %slice3A_73 = vector.extract_strided_slice %convert_element_type3A_9 {offsets = [0, 512], sizes = [1024, 128], strides = [1, 1]} : vector<1024x4096xbf16> to vector<1024x128xbf16>
    %get3A_74 = arith.constant 0 : index
    %get3A_75 = arith.constant 512 : index
    %get3A_76 = vector.load %arg4[%get3A_74, %get3A_75] : memref<1x4096xbf16, #tpu.memory_space<vmem>>, vector<1x128xbf16>
    %add3A_77 = vector.broadcast %get3A_76 : vector<1x128xbf16> to vector<1024x128xbf16>
    %add3A_78 = arith.addf %slice3A_73, %add3A_77 : vector<1024x128xbf16>
    %sub3A_79 = arith.constant 512 : i32
    %sub3A_80 = arith.subi %sub3A_14, %sub3A_79 : i32
    %lt3A_81 = vector.broadcast %sub3A_80 : i32 to vector<1x128xi32>
    %lt3A_82 = arith.cmpi slt, %iota3A, %lt3A_81 : vector<1x128xi32>
    %jit3A_83 = arith.constant 0xFF80 : bf16
    %broadcast_in_dim3A_84 = vector.shape_cast %lt3A_82 : vector<1x128xi1> to vector<1x128xi1>
    %broadcast_in_dim3A_85 = vector.broadcast %broadcast_in_dim3A_84 : vector<1x128xi1> to vector<1024x128xi1>
    %broadcast_in_dim3A_86 = vector.broadcast %jit3A_83 : bf16 to vector<1024x128xbf16>
    %select_n3A_87 = arith.select %broadcast_in_dim3A_85, %add3A_78, %broadcast_in_dim3A_86 : vector<1024x128xi1>, vector<1024x128xbf16>
    %max3A_88 = arith.maximumf %max3A_72, %select_n3A_87 : vector<1024x128xbf16>
    %slice3A_89 = vector.extract_strided_slice %convert_element_type3A_9 {offsets = [0, 640], sizes = [1024, 128], strides = [1, 1]} : vector<1024x4096xbf16> to vector<1024x128xbf16>
    %get3A_90 = arith.constant 0 : index
    %get3A_91 = arith.constant 640 : index
    %get3A_92 = vector.load %arg4[%get3A_90, %get3A_91] : memref<1x4096xbf16, #tpu.memory_space<vmem>>, vector<1x128xbf16>
    %add3A_93 = vector.broadcast %get3A_92 : vector<1x128xbf16> to vector<1024x128xbf16>
    %add3A_94 = arith.addf %slice3A_89, %add3A_93 : vector<1024x128xbf16>
    %sub3A_95 = arith.constant 640 : i32
    %sub3A_96 = arith.subi %sub3A_14, %sub3A_95 : i32
    %lt3A_97 = vector.broadcast %sub3A_96 : i32 to vector<1x128xi32>
    %lt3A_98 = arith.cmpi slt, %iota3A, %lt3A_97 : vector<1x128xi32>
    %jit3A_99 = arith.constant 0xFF80 : bf16
    %broadcast_in_dim3A_100 = vector.shape_cast %lt3A_98 : vector<1x128xi1> to vector<1x128xi1>
    %broadcast_in_dim3A_101 = vector.broadcast %broadcast_in_dim3A_100 : vector<1x128xi1> to vector<1024x128xi1>
    %broadcast_in_dim3A_102 = vector.broadcast %jit3A_99 : bf16 to vector<1024x128xbf16>
    %select_n3A_103 = arith.select %broadcast_in_dim3A_101, %add3A_94, %broadcast_in_dim3A_102 : vector<1024x128xi1>, vector<1024x128xbf16>
    %max3A_104 = arith.maximumf %max3A_88, %select_n3A_103 : vector<1024x128xbf16>
    %slice3A_105 = vector.extract_strided_slice %convert_element_type3A_9 {offsets = [0, 768], sizes = [1024, 128], strides = [1, 1]} : vector<1024x4096xbf16> to vector<1024x128xbf16>
    %get3A_106 = arith.constant 0 : index
    %get3A_107 = arith.constant 768 : index
    %get3A_108 = vector.load %arg4[%get3A_106, %get3A_107] : memref<1x4096xbf16, #tpu.memory_space<vmem>>, vector<1x128xbf16>
    %add3A_109 = vector.broadcast %get3A_108 : vector<1x128xbf16> to vector<1024x128xbf16>
    %add3A_110 = arith.addf %slice3A_105, %add3A_109 : vector<1024x128xbf16>
    %sub3A_111 = arith.constant 768 : i32
    %sub3A_112 = arith.subi %sub3A_14, %sub3A_111 : i32
    %lt3A_113 = vector.broadcast %sub3A_112 : i32 to vector<1x128xi32>
    %lt3A_114 = arith.cmpi slt, %iota3A, %lt3A_113 : vector<1x128xi32>
    %jit3A_115 = arith.constant 0xFF80 : bf16
    %broadcast_in_dim3A_116 = vector.shape_cast %lt3A_114 : vector<1x128xi1> to vector<1x128xi1>
    %broadcast_in_dim3A_117 = vector.broadcast %broadcast_in_dim3A_116 : vector<1x128xi1> to vector<1024x128xi1>
    %broadcast_in_dim3A_118 = vector.broadcast %jit3A_115 : bf16 to vector<1024x128xbf16>
    %select_n3A_119 = arith.select %broadcast_in_dim3A_117, %add3A_110, %broadcast_in_dim3A_118 : vector<1024x128xi1>, vector<1024x128xbf16>
    %max3A_120 = arith.maximumf %max3A_104, %select_n3A_119 : vector<1024x128xbf16>
    %slice3A_121 = vector.extract_strided_slice %convert_element_type3A_9 {offsets = [0, 896], sizes = [1024, 128], strides = [1, 1]} : vector<1024x4096xbf16> to vector<1024x128xbf16>
    %get3A_122 = arith.constant 0 : index
    %get3A_123 = arith.constant 896 : index
    %get3A_124 = vector.load %arg4[%get3A_122, %get3A_123] : memref<1x4096xbf16, #tpu.memory_space<vmem>>, vector<1x128xbf16>
    %add3A_125 = vector.broadcast %get3A_124 : vector<1x128xbf16> to vector<1024x128xbf16>
    %add3A_126 = arith.addf %slice3A_121, %add3A_125 : vector<1024x128xbf16>
    %sub3A_127 = arith.constant 896 : i32
    %sub3A_128 = arith.subi %sub3A_14, %sub3A_127 : i32
    %lt3A_129 = vector.broadcast %sub3A_128 : i32 to vector<1x128xi32>
    %lt3A_130 = arith.cmpi slt, %iota3A, %lt3A_129 : vector<1x128xi32>
    %jit3A_131 = arith.constant 0xFF80 : bf16
    %broadcast_in_dim3A_132 = vector.shape_cast %lt3A_130 : vector<1x128xi1> to vector<1x128xi1>
    %broadcast_in_dim3A_133 = vector.broadcast %broadcast_in_dim3A_132 : vector<1x128xi1> to vector<1024x128xi1>
    %broadcast_in_dim3A_134 = vector.broadcast %jit3A_131 : bf16 to vector<1024x128xbf16>
    %select_n3A_135 = arith.select %broadcast_in_dim3A_133, %add3A_126, %broadcast_in_dim3A_134 : vector<1024x128xi1>, vector<1024x128xbf16>
    %max3A_136 = arith.maximumf %max3A_120, %select_n3A_135 : vector<1024x128xbf16>
    %slice3A_137 = vector.extract_strided_slice %convert_element_type3A_9 {offsets = [0, 1024], sizes = [1024, 128], strides = [1, 1]} : vector<1024x4096xbf16> to vector<1024x128xbf16>
    %get3A_138 = arith.constant 0 : index
    %get3A_139 = arith.constant 1024 : index
    %get3A_140 = vector.load %arg4[%get3A_138, %get3A_139] : memref<1x4096xbf16, #tpu.memory_space<vmem>>, vector<1x128xbf16>
    %add3A_141 = vector.broadcast %get3A_140 : vector<1x128xbf16> to vector<1024x128xbf16>
    %add3A_142 = arith.addf %slice3A_137, %add3A_141 : vector<1024x128xbf16>
    %sub3A_143 = arith.constant 1024 : i32
    %sub3A_144 = arith.subi %sub3A_14, %sub3A_143 : i32
    %lt3A_145 = vector.broadcast %sub3A_144 : i32 to vector<1x128xi32>
    %lt3A_146 = arith.cmpi slt, %iota3A, %lt3A_145 : vector<1x128xi32>
    %jit3A_147 = arith.constant 0xFF80 : bf16
    %broadcast_in_dim3A_148 = vector.shape_cast %lt3A_146 : vector<1x128xi1> to vector<1x128xi1>
    %broadcast_in_dim3A_149 = vector.broadcast %broadcast_in_dim3A_148 : vector<1x128xi1> to vector<1024x128xi1>
    %broadcast_in_dim3A_150 = vector.broadcast %jit3A_147 : bf16 to vector<1024x128xbf16>
    %select_n3A_151 = arith.select %broadcast_in_dim3A_149, %add3A_142, %broadcast_in_dim3A_150 : vector<1024x128xi1>, vector<1024x128xbf16>
    %max3A_152 = arith.maximumf %max3A_136, %select_n3A_151 : vector<1024x128xbf16>
    %slice3A_153 = vector.extract_strided_slice %convert_element_type3A_9 {offsets = [0, 1152], sizes = [1024, 128], strides = [1, 1]} : vector<1024x4096xbf16> to vector<1024x128xbf16>
    %get3A_154 = arith.constant 0 : index
    %get3A_155 = arith.constant 1152 : index
    %get3A_156 = vector.load %arg4[%get3A_154, %get3A_155] : memref<1x4096xbf16, #tpu.memory_space<vmem>>, vector<1x128xbf16>
    %add3A_157 = vector.broadcast %get3A_156 : vector<1x128xbf16> to vector<1024x128xbf16>
    %add3A_158 = arith.addf %slice3A_153, %add3A_157 : vector<1024x128xbf16>
    %sub3A_159 = arith.constant 1152 : i32
    %sub3A_160 = arith.subi %sub3A_14, %sub3A_159 : i32
    %lt3A_161 = vector.broadcast %sub3A_160 : i32 to vector<1x128xi32>
    %lt3A_162 = arith.cmpi slt, %iota3A, %lt3A_161 : vector<1x128xi32>
    %jit3A_163 = arith.constant 0xFF80 : bf16
    %broadcast_in_dim3A_164 = vector.shape_cast %lt3A_162 : vector<1x128xi1> to vector<1x128xi1>
    %broadcast_in_dim3A_165 = vector.broadcast %broadcast_in_dim3A_164 : vector<1x128xi1> to vector<1024x128xi1>
    %broadcast_in_dim3A_166 = vector.broadcast %jit3A_163 : bf16 to vector<1024x128xbf16>
    %select_n3A_167 = arith.select %broadcast_in_dim3A_165, %add3A_158, %broadcast_in_dim3A_166 : vector<1024x128xi1>, vector<1024x128xbf16>
    %max3A_168 = arith.maximumf %max3A_152, %select_n3A_167 : vector<1024x128xbf16>
    %slice3A_169 = vector.extract_strided_slice %convert_element_type3A_9 {offsets = [0, 1280], sizes = [1024, 128], strides = [1, 1]} : vector<1024x4096xbf16> to vector<1024x128xbf16>
    %get3A_170 = arith.constant 0 : index
    %get3A_171 = arith.constant 1280 : index
    %get3A_172 = vector.load %arg4[%get3A_170, %get3A_171] : memref<1x4096xbf16, #tpu.memory_space<vmem>>, vector<1x128xbf16>
    %add3A_173 = vector.broadcast %get3A_172 : vector<1x128xbf16> to vector<1024x128xbf16>
    %add3A_174 = arith.addf %slice3A_169, %add3A_173 : vector<1024x128xbf16>
    %sub3A_175 = arith.constant 1280 : i32
    %sub3A_176 = arith.subi %sub3A_14, %sub3A_175 : i32
    %lt3A_177 = vector.broadcast %sub3A_176 : i32 to vector<1x128xi32>
    %lt3A_178 = arith.cmpi slt, %iota3A, %lt3A_177 : vector<1x128xi32>
    %jit3A_179 = arith.constant 0xFF80 : bf16
    %broadcast_in_dim3A_180 = vector.shape_cast %lt3A_178 : vector<1x128xi1> to vector<1x128xi1>
    %broadcast_in_dim3A_181 = vector.broadcast %broadcast_in_dim3A_180 : vector<1x128xi1> to vector<1024x128xi1>
    %broadcast_in_dim3A_182 = vector.broadcast %jit3A_179 : bf16 to vector<1024x128xbf16>
    %select_n3A_183 = arith.select %broadcast_in_dim3A_181, %add3A_174, %broadcast_in_dim3A_182 : vector<1024x128xi1>, vector<1024x128xbf16>
    %max3A_184 = arith.maximumf %max3A_168, %select_n3A_183 : vector<1024x128xbf16>
    %slice3A_185 = vector.extract_strided_slice %convert_element_type3A_9 {offsets = [0, 1408], sizes = [1024, 128], strides = [1, 1]} : vector<1024x4096xbf16> to vector<1024x128xbf16>
    %get3A_186 = arith.constant 0 : index
    %get3A_187 = arith.constant 1408 : index
    %get3A_188 = vector.load %arg4[%get3A_186, %get3A_187] : memref<1x4096xbf16, #tpu.memory_space<vmem>>, vector<1x128xbf16>
    %add3A_189 = vector.broadcast %get3A_188 : vector<1x128xbf16> to vector<1024x128xbf16>
    %add3A_190 = arith.addf %slice3A_185, %add3A_189 : vector<1024x128xbf16>
    %sub3A_191 = arith.constant 1408 : i32
    %sub3A_192 = arith.subi %sub3A_14, %sub3A_191 : i32
    %lt3A_193 = vector.broadcast %sub3A_192 : i32 to vector<1x128xi32>
    %lt3A_194 = arith.cmpi slt, %iota3A, %lt3A_193 : vector<1x128xi32>
    %jit3A_195 = arith.constant 0xFF80 : bf16
    %broadcast_in_dim3A_196 = vector.shape_cast %lt3A_194 : vector<1x128xi1> to vector<1x128xi1>
    %broadcast_in_dim3A_197 = vector.broadcast %broadcast_in_dim3A_196 : vector<1x128xi1> to vector<1024x128xi1>
    %broadcast_in_dim3A_198 = vector.broadcast %jit3A_195 : bf16 to vector<1024x128xbf16>
    %select_n3A_199 = arith.select %broadcast_in_dim3A_197, %add3A_190, %broadcast_in_dim3A_198 : vector<1024x128xi1>, vector<1024x128xbf16>
    %max3A_200 = arith.maximumf %max3A_184, %select_n3A_199 : vector<1024x128xbf16>
    %slice3A_201 = vector.extract_strided_slice %convert_element_type3A_9 {offsets = [0, 1536], sizes = [1024, 128], strides = [1, 1]} : vector<1024x4096xbf16> to vector<1024x128xbf16>
    %get3A_202 = arith.constant 0 : index
    %get3A_203 = arith.constant 1536 : index
    %get3A_204 = vector.load %arg4[%get3A_202, %get3A_203] : memref<1x4096xbf16, #tpu.memory_space<vmem>>, vector<1x128xbf16>
    %add3A_205 = vector.broadcast %get3A_204 : vector<1x128xbf16> to vector<1024x128xbf16>
    %add3A_206 = arith.addf %slice3A_201, %add3A_205 : vector<1024x128xbf16>
    %sub3A_207 = arith.constant 1536 : i32
    %sub3A_208 = arith.subi %sub3A_14, %sub3A_207 : i32
    %lt3A_209 = vector.broadcast %sub3A_208 : i32 to vector<1x128xi32>
    %lt3A_210 = arith.cmpi slt, %iota3A, %lt3A_209 : vector<1x128xi32>
    %jit3A_211 = arith.constant 0xFF80 : bf16
    %broadcast_in_dim3A_212 = vector.shape_cast %lt3A_210 : vector<1x128xi1> to vector<1x128xi1>
    %broadcast_in_dim3A_213 = vector.broadcast %broadcast_in_dim3A_212 : vector<1x128xi1> to vector<1024x128xi1>
    %broadcast_in_dim3A_214 = vector.broadcast %jit3A_211 : bf16 to vector<1024x128xbf16>
    %select_n3A_215 = arith.select %broadcast_in_dim3A_213, %add3A_206, %broadcast_in_dim3A_214 : vector<1024x128xi1>, vector<1024x128xbf16>
    %max3A_216 = arith.maximumf %max3A_200, %select_n3A_215 : vector<1024x128xbf16>
    %slice3A_217 = vector.extract_strided_slice %convert_element_type3A_9 {offsets = [0, 1664], sizes = [1024, 128], strides = [1, 1]} : vector<1024x4096xbf16> to vector<1024x128xbf16>
    %get3A_218 = arith.constant 0 : index
    %get3A_219 = arith.constant 1664 : index
    %get3A_220 = vector.load %arg4[%get3A_218, %get3A_219] : memref<1x4096xbf16, #tpu.memory_space<vmem>>, vector<1x128xbf16>
    %add3A_221 = vector.broadcast %get3A_220 : vector<1x128xbf16> to vector<1024x128xbf16>
    %add3A_222 = arith.addf %slice3A_217, %add3A_221 : vector<1024x128xbf16>
    %sub3A_223 = arith.constant 1664 : i32
    %sub3A_224 = arith.subi %sub3A_14, %sub3A_223 : i32
    %lt3A_225 = vector.broadcast %sub3A_224 : i32 to vector<1x128xi32>
    %lt3A_226 = arith.cmpi slt, %iota3A, %lt3A_225 : vector<1x128xi32>
    %jit3A_227 = arith.constant 0xFF80 : bf16
    %broadcast_in_dim3A_228 = vector.shape_cast %lt3A_226 : vector<1x128xi1> to vector<1x128xi1>
    %broadcast_in_dim3A_229 = vector.broadcast %broadcast_in_dim3A_228 : vector<1x128xi1> to vector<1024x128xi1>
    %broadcast_in_dim3A_230 = vector.broadcast %jit3A_227 : bf16 to vector<1024x128xbf16>
    %select_n3A_231 = arith.select %broadcast_in_dim3A_229, %add3A_222, %broadcast_in_dim3A_230 : vector<1024x128xi1>, vector<1024x128xbf16>
    %max3A_232 = arith.maximumf %max3A_216, %select_n3A_231 : vector<1024x128xbf16>
    %slice3A_233 = vector.extract_strided_slice %convert_element_type3A_9 {offsets = [0, 1792], sizes = [1024, 128], strides = [1, 1]} : vector<1024x4096xbf16> to vector<1024x128xbf16>
    %get3A_234 = arith.constant 0 : index
    %get3A_235 = arith.constant 1792 : index
    %get3A_236 = vector.load %arg4[%get3A_234, %get3A_235] : memref<1x4096xbf16, #tpu.memory_space<vmem>>, vector<1x128xbf16>
    %add3A_237 = vector.broadcast %get3A_236 : vector<1x128xbf16> to vector<1024x128xbf16>
    %add3A_238 = arith.addf %slice3A_233, %add3A_237 : vector<1024x128xbf16>
    %sub3A_239 = arith.constant 1792 : i32
    %sub3A_240 = arith.subi %sub3A_14, %sub3A_239 : i32
    %lt3A_241 = vector.broadcast %sub3A_240 : i32 to vector<1x128xi32>
    %lt3A_242 = arith.cmpi slt, %iota3A, %lt3A_241 : vector<1x128xi32>
    %jit3A_243 = arith.constant 0xFF80 : bf16
    %broadcast_in_dim3A_244 = vector.shape_cast %lt3A_242 : vector<1x128xi1> to vector<1x128xi1>
    %broadcast_in_dim3A_245 = vector.broadcast %broadcast_in_dim3A_244 : vector<1x128xi1> to vector<1024x128xi1>
    %broadcast_in_dim3A_246 = vector.broadcast %jit3A_243 : bf16 to vector<1024x128xbf16>
    %select_n3A_247 = arith.select %broadcast_in_dim3A_245, %add3A_238, %broadcast_in_dim3A_246 : vector<1024x128xi1>, vector<1024x128xbf16>
    %max3A_248 = arith.maximumf %max3A_232, %select_n3A_247 : vector<1024x128xbf16>
    %slice3A_249 = vector.extract_strided_slice %convert_element_type3A_9 {offsets = [0, 1920], sizes = [1024, 128], strides = [1, 1]} : vector<1024x4096xbf16> to vector<1024x128xbf16>
    %get3A_250 = arith.constant 0 : index
    %get3A_251 = arith.constant 1920 : index
    %get3A_252 = vector.load %arg4[%get3A_250, %get3A_251] : memref<1x4096xbf16, #tpu.memory_space<vmem>>, vector<1x128xbf16>
    %add3A_253 = vector.broadcast %get3A_252 : vector<1x128xbf16> to vector<1024x128xbf16>
    %add3A_254 = arith.addf %slice3A_249, %add3A_253 : vector<1024x128xbf16>
    %sub3A_255 = arith.constant 1920 : i32
    %sub3A_256 = arith.subi %sub3A_14, %sub3A_255 : i32
    %lt3A_257 = vector.broadcast %sub3A_256 : i32 to vector<1x128xi32>
    %lt3A_258 = arith.cmpi slt, %iota3A, %lt3A_257 : vector<1x128xi32>
    %jit3A_259 = arith.constant 0xFF80 : bf16
    %broadcast_in_dim3A_260 = vector.shape_cast %lt3A_258 : vector<1x128xi1> to vector<1x128xi1>
    %broadcast_in_dim3A_261 = vector.broadcast %broadcast_in_dim3A_260 : vector<1x128xi1> to vector<1024x128xi1>
    %broadcast_in_dim3A_262 = vector.broadcast %jit3A_259 : bf16 to vector<1024x128xbf16>
    %select_n3A_263 = arith.select %broadcast_in_dim3A_261, %add3A_254, %broadcast_in_dim3A_262 : vector<1024x128xi1>, vector<1024x128xbf16>
    %max3A_264 = arith.maximumf %max3A_248, %select_n3A_263 : vector<1024x128xbf16>
    %slice3A_265 = vector.extract_strided_slice %convert_element_type3A_9 {offsets = [0, 2048], sizes = [1024, 128], strides = [1, 1]} : vector<1024x4096xbf16> to vector<1024x128xbf16>
    %get3A_266 = arith.constant 0 : index
    %get3A_267 = arith.constant 2048 : index
    %get3A_268 = vector.load %arg4[%get3A_266, %get3A_267] : memref<1x4096xbf16, #tpu.memory_space<vmem>>, vector<1x128xbf16>
    %add3A_269 = vector.broadcast %get3A_268 : vector<1x128xbf16> to vector<1024x128xbf16>
    %add3A_270 = arith.addf %slice3A_265, %add3A_269 : vector<1024x128xbf16>
    %sub3A_271 = arith.constant 2048 : i32
    %sub3A_272 = arith.subi %sub3A_14, %sub3A_271 : i32
    %lt3A_273 = vector.broadcast %sub3A_272 : i32 to vector<1x128xi32>
    %lt3A_274 = arith.cmpi slt, %iota3A, %lt3A_273 : vector<1x128xi32>
    %jit3A_275 = arith.constant 0xFF80 : bf16
    %broadcast_in_dim3A_276 = vector.shape_cast %lt3A_274 : vector<1x128xi1> to vector<1x128xi1>
    %broadcast_in_dim3A_277 = vector.broadcast %broadcast_in_dim3A_276 : vector<1x128xi1> to vector<1024x128xi1>
    %broadcast_in_dim3A_278 = vector.broadcast %jit3A_275 : bf16 to vector<1024x128xbf16>
    %select_n3A_279 = arith.select %broadcast_in_dim3A_277, %add3A_270, %broadcast_in_dim3A_278 : vector<1024x128xi1>, vector<1024x128xbf16>
    %max3A_280 = arith.maximumf %max3A_264, %select_n3A_279 : vector<1024x128xbf16>
    %slice3A_281 = vector.extract_strided_slice %convert_element_type3A_9 {offsets = [0, 2176], sizes = [1024, 128], strides = [1, 1]} : vector<1024x4096xbf16> to vector<1024x128xbf16>
    %get3A_282 = arith.constant 0 : index
    %get3A_283 = arith.constant 2176 : index
    %get3A_284 = vector.load %arg4[%get3A_282, %get3A_283] : memref<1x4096xbf16, #tpu.memory_space<vmem>>, vector<1x128xbf16>
    %add3A_285 = vector.broadcast %get3A_284 : vector<1x128xbf16> to vector<1024x128xbf16>
    %add3A_286 = arith.addf %slice3A_281, %add3A_285 : vector<1024x128xbf16>
    %sub3A_287 = arith.constant 2176 : i32
    %sub3A_288 = arith.subi %sub3A_14, %sub3A_287 : i32
    %lt3A_289 = vector.broadcast %sub3A_288 : i32 to vector<1x128xi32>
    %lt3A_290 = arith.cmpi slt, %iota3A, %lt3A_289 : vector<1x128xi32>
    %jit3A_291 = arith.constant 0xFF80 : bf16
    %broadcast_in_dim3A_292 = vector.shape_cast %lt3A_290 : vector<1x128xi1> to vector<1x128xi1>
    %broadcast_in_dim3A_293 = vector.broadcast %broadcast_in_dim3A_292 : vector<1x128xi1> to vector<1024x128xi1>
    %broadcast_in_dim3A_294 = vector.broadcast %jit3A_291 : bf16 to vector<1024x128xbf16>
    %select_n3A_295 = arith.select %broadcast_in_dim3A_293, %add3A_286, %broadcast_in_dim3A_294 : vector<1024x128xi1>, vector<1024x128xbf16>
    %max3A_296 = arith.maximumf %max3A_280, %select_n3A_295 : vector<1024x128xbf16>
    %slice3A_297 = vector.extract_strided_slice %convert_element_type3A_9 {offsets = [0, 2304], sizes = [1024, 128], strides = [1, 1]} : vector<1024x4096xbf16> to vector<1024x128xbf16>
    %get3A_298 = arith.constant 0 : index
    %get3A_299 = arith.constant 2304 : index
    %get3A_300 = vector.load %arg4[%get3A_298, %get3A_299] : memref<1x4096xbf16, #tpu.memory_space<vmem>>, vector<1x128xbf16>
    %add3A_301 = vector.broadcast %get3A_300 : vector<1x128xbf16> to vector<1024x128xbf16>
    %add3A_302 = arith.addf %slice3A_297, %add3A_301 : vector<1024x128xbf16>
    %sub3A_303 = arith.constant 2304 : i32
    %sub3A_304 = arith.subi %sub3A_14, %sub3A_303 : i32
    %lt3A_305 = vector.broadcast %sub3A_304 : i32 to vector<1x128xi32>
    %lt3A_306 = arith.cmpi slt, %iota3A, %lt3A_305 : vector<1x128xi32>
    %jit3A_307 = arith.constant 0xFF80 : bf16
    %broadcast_in_dim3A_308 = vector.shape_cast %lt3A_306 : vector<1x128xi1> to vector<1x128xi1>
    %broadcast_in_dim3A_309 = vector.broadcast %broadcast_in_dim3A_308 : vector<1x128xi1> to vector<1024x128xi1>
    %broadcast_in_dim3A_310 = vector.broadcast %jit3A_307 : bf16 to vector<1024x128xbf16>
    %select_n3A_311 = arith.select %broadcast_in_dim3A_309, %add3A_302, %broadcast_in_dim3A_310 : vector<1024x128xi1>, vector<1024x128xbf16>
    %max3A_312 = arith.maximumf %max3A_296, %select_n3A_311 : vector<1024x128xbf16>
    %slice3A_313 = vector.extract_strided_slice %convert_element_type3A_9 {offsets = [0, 2432], sizes = [1024, 128], strides = [1, 1]} : vector<1024x4096xbf16> to vector<1024x128xbf16>
    %get3A_314 = arith.constant 0 : index
    %get3A_315 = arith.constant 2432 : index
    %get3A_316 = vector.load %arg4[%get3A_314, %get3A_315] : memref<1x4096xbf16, #tpu.memory_space<vmem>>, vector<1x128xbf16>
    %add3A_317 = vector.broadcast %get3A_316 : vector<1x128xbf16> to vector<1024x128xbf16>
    %add3A_318 = arith.addf %slice3A_313, %add3A_317 : vector<1024x128xbf16>
    %sub3A_319 = arith.constant 2432 : i32
    %sub3A_320 = arith.subi %sub3A_14, %sub3A_319 : i32
    %lt3A_321 = vector.broadcast %sub3A_320 : i32 to vector<1x128xi32>
    %lt3A_322 = arith.cmpi slt, %iota3A, %lt3A_321 : vector<1x128xi32>
    %jit3A_323 = arith.constant 0xFF80 : bf16
    %broadcast_in_dim3A_324 = vector.shape_cast %lt3A_322 : vector<1x128xi1> to vector<1x128xi1>
    %broadcast_in_dim3A_325 = vector.broadcast %broadcast_in_dim3A_324 : vector<1x128xi1> to vector<1024x128xi1>
    %broadcast_in_dim3A_326 = vector.broadcast %jit3A_323 : bf16 to vector<1024x128xbf16>
    %select_n3A_327 = arith.select %broadcast_in_dim3A_325, %add3A_318, %broadcast_in_dim3A_326 : vector<1024x128xi1>, vector<1024x128xbf16>
    %max3A_328 = arith.maximumf %max3A_312, %select_n3A_327 : vector<1024x128xbf16>
    %slice3A_329 = vector.extract_strided_slice %convert_element_type3A_9 {offsets = [0, 2560], sizes = [1024, 128], strides = [1, 1]} : vector<1024x4096xbf16> to vector<1024x128xbf16>
    %get3A_330 = arith.constant 0 : index
    %get3A_331 = arith.constant 2560 : index
    %get3A_332 = vector.load %arg4[%get3A_330, %get3A_331] : memref<1x4096xbf16, #tpu.memory_space<vmem>>, vector<1x128xbf16>
    %add3A_333 = vector.broadcast %get3A_332 : vector<1x128xbf16> to vector<1024x128xbf16>
    %add3A_334 = arith.addf %slice3A_329, %add3A_333 : vector<1024x128xbf16>
    %sub3A_335 = arith.constant 2560 : i32
    %sub3A_336 = arith.subi %sub3A_14, %sub3A_335 : i32
    %lt3A_337 = vector.broadcast %sub3A_336 : i32 to vector<1x128xi32>
    %lt3A_338 = arith.cmpi slt, %iota3A, %lt3A_337 : vector<1x128xi32>
    %jit3A_339 = arith.constant 0xFF80 : bf16
    %broadcast_in_dim3A_340 = vector.shape_cast %lt3A_338 : vector<1x128xi1> to vector<1x128xi1>
    %broadcast_in_dim3A_341 = vector.broadcast %broadcast_in_dim3A_340 : vector<1x128xi1> to vector<1024x128xi1>
    %broadcast_in_dim3A_342 = vector.broadcast %jit3A_339 : bf16 to vector<1024x128xbf16>
    %select_n3A_343 = arith.select %broadcast_in_dim3A_341, %add3A_334, %broadcast_in_dim3A_342 : vector<1024x128xi1>, vector<1024x128xbf16>
    %max3A_344 = arith.maximumf %max3A_328, %select_n3A_343 : vector<1024x128xbf16>
    %slice3A_345 = vector.extract_strided_slice %convert_element_type3A_9 {offsets = [0, 2688], sizes = [1024, 128], strides = [1, 1]} : vector<1024x4096xbf16> to vector<1024x128xbf16>
    %get3A_346 = arith.constant 0 : index
    %get3A_347 = arith.constant 2688 : index
    %get3A_348 = vector.load %arg4[%get3A_346, %get3A_347] : memref<1x4096xbf16, #tpu.memory_space<vmem>>, vector<1x128xbf16>
    %add3A_349 = vector.broadcast %get3A_348 : vector<1x128xbf16> to vector<1024x128xbf16>
    %add3A_350 = arith.addf %slice3A_345, %add3A_349 : vector<1024x128xbf16>
    %sub3A_351 = arith.constant 2688 : i32
    %sub3A_352 = arith.subi %sub3A_14, %sub3A_351 : i32
    %lt3A_353 = vector.broadcast %sub3A_352 : i32 to vector<1x128xi32>
    %lt3A_354 = arith.cmpi slt, %iota3A, %lt3A_353 : vector<1x128xi32>
    %jit3A_355 = arith.constant 0xFF80 : bf16
    %broadcast_in_dim3A_356 = vector.shape_cast %lt3A_354 : vector<1x128xi1> to vector<1x128xi1>
    %broadcast_in_dim3A_357 = vector.broadcast %broadcast_in_dim3A_356 : vector<1x128xi1> to vector<1024x128xi1>
    %broadcast_in_dim3A_358 = vector.broadcast %jit3A_355 : bf16 to vector<1024x128xbf16>
    %select_n3A_359 = arith.select %broadcast_in_dim3A_357, %add3A_350, %broadcast_in_dim3A_358 : vector<1024x128xi1>, vector<1024x128xbf16>
    %max3A_360 = arith.maximumf %max3A_344, %select_n3A_359 : vector<1024x128xbf16>
    %slice3A_361 = vector.extract_strided_slice %convert_element_type3A_9 {offsets = [0, 2816], sizes = [1024, 128], strides = [1, 1]} : vector<1024x4096xbf16> to vector<1024x128xbf16>
    %get3A_362 = arith.constant 0 : index
    %get3A_363 = arith.constant 2816 : index
    %get3A_364 = vector.load %arg4[%get3A_362, %get3A_363] : memref<1x4096xbf16, #tpu.memory_space<vmem>>, vector<1x128xbf16>
    %add3A_365 = vector.broadcast %get3A_364 : vector<1x128xbf16> to vector<1024x128xbf16>
    %add3A_366 = arith.addf %slice3A_361, %add3A_365 : vector<1024x128xbf16>
    %sub3A_367 = arith.constant 2816 : i32
    %sub3A_368 = arith.subi %sub3A_14, %sub3A_367 : i32
    %lt3A_369 = vector.broadcast %sub3A_368 : i32 to vector<1x128xi32>
    %lt3A_370 = arith.cmpi slt, %iota3A, %lt3A_369 : vector<1x128xi32>
    %jit3A_371 = arith.constant 0xFF80 : bf16
    %broadcast_in_dim3A_372 = vector.shape_cast %lt3A_370 : vector<1x128xi1> to vector<1x128xi1>
    %broadcast_in_dim3A_373 = vector.broadcast %broadcast_in_dim3A_372 : vector<1x128xi1> to vector<1024x128xi1>
    %broadcast_in_dim3A_374 = vector.broadcast %jit3A_371 : bf16 to vector<1024x128xbf16>
    %select_n3A_375 = arith.select %broadcast_in_dim3A_373, %add3A_366, %broadcast_in_dim3A_374 : vector<1024x128xi1>, vector<1024x128xbf16>
    %max3A_376 = arith.maximumf %max3A_360, %select_n3A_375 : vector<1024x128xbf16>
    %slice3A_377 = vector.extract_strided_slice %convert_element_type3A_9 {offsets = [0, 2944], sizes = [1024, 128], strides = [1, 1]} : vector<1024x4096xbf16> to vector<1024x128xbf16>
    %get3A_378 = arith.constant 0 : index
    %get3A_379 = arith.constant 2944 : index
    %get3A_380 = vector.load %arg4[%get3A_378, %get3A_379] : memref<1x4096xbf16, #tpu.memory_space<vmem>>, vector<1x128xbf16>
    %add3A_381 = vector.broadcast %get3A_380 : vector<1x128xbf16> to vector<1024x128xbf16>
    %add3A_382 = arith.addf %slice3A_377, %add3A_381 : vector<1024x128xbf16>
    %sub3A_383 = arith.constant 2944 : i32
    %sub3A_384 = arith.subi %sub3A_14, %sub3A_383 : i32
    %lt3A_385 = vector.broadcast %sub3A_384 : i32 to vector<1x128xi32>
    %lt3A_386 = arith.cmpi slt, %iota3A, %lt3A_385 : vector<1x128xi32>
    %jit3A_387 = arith.constant 0xFF80 : bf16
    %broadcast_in_dim3A_388 = vector.shape_cast %lt3A_386 : vector<1x128xi1> to vector<1x128xi1>
    %broadcast_in_dim3A_389 = vector.broadcast %broadcast_in_dim3A_388 : vector<1x128xi1> to vector<1024x128xi1>
    %broadcast_in_dim3A_390 = vector.broadcast %jit3A_387 : bf16 to vector<1024x128xbf16>
    %select_n3A_391 = arith.select %broadcast_in_dim3A_389, %add3A_382, %broadcast_in_dim3A_390 : vector<1024x128xi1>, vector<1024x128xbf16>
    %max3A_392 = arith.maximumf %max3A_376, %select_n3A_391 : vector<1024x128xbf16>
    %slice3A_393 = vector.extract_strided_slice %convert_element_type3A_9 {offsets = [0, 3072], sizes = [1024, 128], strides = [1, 1]} : vector<1024x4096xbf16> to vector<1024x128xbf16>
    %get3A_394 = arith.constant 0 : index
    %get3A_395 = arith.constant 3072 : index
    %get3A_396 = vector.load %arg4[%get3A_394, %get3A_395] : memref<1x4096xbf16, #tpu.memory_space<vmem>>, vector<1x128xbf16>
    %add3A_397 = vector.broadcast %get3A_396 : vector<1x128xbf16> to vector<1024x128xbf16>
    %add3A_398 = arith.addf %slice3A_393, %add3A_397 : vector<1024x128xbf16>
    %sub3A_399 = arith.constant 3072 : i32
    %sub3A_400 = arith.subi %sub3A_14, %sub3A_399 : i32
    %lt3A_401 = vector.broadcast %sub3A_400 : i32 to vector<1x128xi32>
    %lt3A_402 = arith.cmpi slt, %iota3A, %lt3A_401 : vector<1x128xi32>
    %jit3A_403 = arith.constant 0xFF80 : bf16
    %broadcast_in_dim3A_404 = vector.shape_cast %lt3A_402 : vector<1x128xi1> to vector<1x128xi1>
    %broadcast_in_dim3A_405 = vector.broadcast %broadcast_in_dim3A_404 : vector<1x128xi1> to vector<1024x128xi1>
    %broadcast_in_dim3A_406 = vector.broadcast %jit3A_403 : bf16 to vector<1024x128xbf16>
    %select_n3A_407 = arith.select %broadcast_in_dim3A_405, %add3A_398, %broadcast_in_dim3A_406 : vector<1024x128xi1>, vector<1024x128xbf16>
    %max3A_408 = arith.maximumf %max3A_392, %select_n3A_407 : vector<1024x128xbf16>
    %slice3A_409 = vector.extract_strided_slice %convert_element_type3A_9 {offsets = [0, 3200], sizes = [1024, 128], strides = [1, 1]} : vector<1024x4096xbf16> to vector<1024x128xbf16>
    %get3A_410 = arith.constant 0 : index
    %get3A_411 = arith.constant 3200 : index
    %get3A_412 = vector.load %arg4[%get3A_410, %get3A_411] : memref<1x4096xbf16, #tpu.memory_space<vmem>>, vector<1x128xbf16>
    %add3A_413 = vector.broadcast %get3A_412 : vector<1x128xbf16> to vector<1024x128xbf16>
    %add3A_414 = arith.addf %slice3A_409, %add3A_413 : vector<1024x128xbf16>
    %sub3A_415 = arith.constant 3200 : i32
    %sub3A_416 = arith.subi %sub3A_14, %sub3A_415 : i32
    %lt3A_417 = vector.broadcast %sub3A_416 : i32 to vector<1x128xi32>
    %lt3A_418 = arith.cmpi slt, %iota3A, %lt3A_417 : vector<1x128xi32>
    %jit3A_419 = arith.constant 0xFF80 : bf16
    %broadcast_in_dim3A_420 = vector.shape_cast %lt3A_418 : vector<1x128xi1> to vector<1x128xi1>
    %broadcast_in_dim3A_421 = vector.broadcast %broadcast_in_dim3A_420 : vector<1x128xi1> to vector<1024x128xi1>
    %broadcast_in_dim3A_422 = vector.broadcast %jit3A_419 : bf16 to vector<1024x128xbf16>
    %select_n3A_423 = arith.select %broadcast_in_dim3A_421, %add3A_414, %broadcast_in_dim3A_422 : vector<1024x128xi1>, vector<1024x128xbf16>
    %max3A_424 = arith.maximumf %max3A_408, %select_n3A_423 : vector<1024x128xbf16>
    %slice3A_425 = vector.extract_strided_slice %convert_element_type3A_9 {offsets = [0, 3328], sizes = [1024, 128], strides = [1, 1]} : vector<1024x4096xbf16> to vector<1024x128xbf16>
    %get3A_426 = arith.constant 0 : index
    %get3A_427 = arith.constant 3328 : index
    %get3A_428 = vector.load %arg4[%get3A_426, %get3A_427] : memref<1x4096xbf16, #tpu.memory_space<vmem>>, vector<1x128xbf16>
    %add3A_429 = vector.broadcast %get3A_428 : vector<1x128xbf16> to vector<1024x128xbf16>
    %add3A_430 = arith.addf %slice3A_425, %add3A_429 : vector<1024x128xbf16>
    %sub3A_431 = arith.constant 3328 : i32
    %sub3A_432 = arith.subi %sub3A_14, %sub3A_431 : i32
    %lt3A_433 = vector.broadcast %sub3A_432 : i32 to vector<1x128xi32>
    %lt3A_434 = arith.cmpi slt, %iota3A, %lt3A_433 : vector<1x128xi32>
    %jit3A_435 = arith.constant 0xFF80 : bf16
    %broadcast_in_dim3A_436 = vector.shape_cast %lt3A_434 : vector<1x128xi1> to vector<1x128xi1>
    %broadcast_in_dim3A_437 = vector.broadcast %broadcast_in_dim3A_436 : vector<1x128xi1> to vector<1024x128xi1>
    %broadcast_in_dim3A_438 = vector.broadcast %jit3A_435 : bf16 to vector<1024x128xbf16>
    %select_n3A_439 = arith.select %broadcast_in_dim3A_437, %add3A_430, %broadcast_in_dim3A_438 : vector<1024x128xi1>, vector<1024x128xbf16>
    %max3A_440 = arith.maximumf %max3A_424, %select_n3A_439 : vector<1024x128xbf16>
    %slice3A_441 = vector.extract_strided_slice %convert_element_type3A_9 {offsets = [0, 3456], sizes = [1024, 128], strides = [1, 1]} : vector<1024x4096xbf16> to vector<1024x128xbf16>
    %get3A_442 = arith.constant 0 : index
    %get3A_443 = arith.constant 3456 : index
    %get3A_444 = vector.load %arg4[%get3A_442, %get3A_443] : memref<1x4096xbf16, #tpu.memory_space<vmem>>, vector<1x128xbf16>
    %add3A_445 = vector.broadcast %get3A_444 : vector<1x128xbf16> to vector<1024x128xbf16>
    %add3A_446 = arith.addf %slice3A_441, %add3A_445 : vector<1024x128xbf16>
    %sub3A_447 = arith.constant 3456 : i32
    %sub3A_448 = arith.subi %sub3A_14, %sub3A_447 : i32
    %lt3A_449 = vector.broadcast %sub3A_448 : i32 to vector<1x128xi32>
    %lt3A_450 = arith.cmpi slt, %iota3A, %lt3A_449 : vector<1x128xi32>
    %jit3A_451 = arith.constant 0xFF80 : bf16
    %broadcast_in_dim3A_452 = vector.shape_cast %lt3A_450 : vector<1x128xi1> to vector<1x128xi1>
    %broadcast_in_dim3A_453 = vector.broadcast %broadcast_in_dim3A_452 : vector<1x128xi1> to vector<1024x128xi1>
    %broadcast_in_dim3A_454 = vector.broadcast %jit3A_451 : bf16 to vector<1024x128xbf16>
    %select_n3A_455 = arith.select %broadcast_in_dim3A_453, %add3A_446, %broadcast_in_dim3A_454 : vector<1024x128xi1>, vector<1024x128xbf16>
    %max3A_456 = arith.maximumf %max3A_440, %select_n3A_455 : vector<1024x128xbf16>
    %slice3A_457 = vector.extract_strided_slice %convert_element_type3A_9 {offsets = [0, 3584], sizes = [1024, 128], strides = [1, 1]} : vector<1024x4096xbf16> to vector<1024x128xbf16>
    %get3A_458 = arith.constant 0 : index
    %get3A_459 = arith.constant 3584 : index
    %get3A_460 = vector.load %arg4[%get3A_458, %get3A_459] : memref<1x4096xbf16, #tpu.memory_space<vmem>>, vector<1x128xbf16>
    %add3A_461 = vector.broadcast %get3A_460 : vector<1x128xbf16> to vector<1024x128xbf16>
    %add3A_462 = arith.addf %slice3A_457, %add3A_461 : vector<1024x128xbf16>
    %sub3A_463 = arith.constant 3584 : i32
    %sub3A_464 = arith.subi %sub3A_14, %sub3A_463 : i32
    %lt3A_465 = vector.broadcast %sub3A_464 : i32 to vector<1x128xi32>
    %lt3A_466 = arith.cmpi slt, %iota3A, %lt3A_465 : vector<1x128xi32>
    %jit3A_467 = arith.constant 0xFF80 : bf16
    %broadcast_in_dim3A_468 = vector.shape_cast %lt3A_466 : vector<1x128xi1> to vector<1x128xi1>
    %broadcast_in_dim3A_469 = vector.broadcast %broadcast_in_dim3A_468 : vector<1x128xi1> to vector<1024x128xi1>
    %broadcast_in_dim3A_470 = vector.broadcast %jit3A_467 : bf16 to vector<1024x128xbf16>
    %select_n3A_471 = arith.select %broadcast_in_dim3A_469, %add3A_462, %broadcast_in_dim3A_470 : vector<1024x128xi1>, vector<1024x128xbf16>
    %max3A_472 = arith.maximumf %max3A_456, %select_n3A_471 : vector<1024x128xbf16>
    %slice3A_473 = vector.extract_strided_slice %convert_element_type3A_9 {offsets = [0, 3712], sizes = [1024, 128], strides = [1, 1]} : vector<1024x4096xbf16> to vector<1024x128xbf16>
    %get3A_474 = arith.constant 0 : index
    %get3A_475 = arith.constant 3712 : index
    %get3A_476 = vector.load %arg4[%get3A_474, %get3A_475] : memref<1x4096xbf16, #tpu.memory_space<vmem>>, vector<1x128xbf16>
    %add3A_477 = vector.broadcast %get3A_476 : vector<1x128xbf16> to vector<1024x128xbf16>
    %add3A_478 = arith.addf %slice3A_473, %add3A_477 : vector<1024x128xbf16>
    %sub3A_479 = arith.constant 3712 : i32
    %sub3A_480 = arith.subi %sub3A_14, %sub3A_479 : i32
    %lt3A_481 = vector.broadcast %sub3A_480 : i32 to vector<1x128xi32>
    %lt3A_482 = arith.cmpi slt, %iota3A, %lt3A_481 : vector<1x128xi32>
    %jit3A_483 = arith.constant 0xFF80 : bf16
    %broadcast_in_dim3A_484 = vector.shape_cast %lt3A_482 : vector<1x128xi1> to vector<1x128xi1>
    %broadcast_in_dim3A_485 = vector.broadcast %broadcast_in_dim3A_484 : vector<1x128xi1> to vector<1024x128xi1>
    %broadcast_in_dim3A_486 = vector.broadcast %jit3A_483 : bf16 to vector<1024x128xbf16>
    %select_n3A_487 = arith.select %broadcast_in_dim3A_485, %add3A_478, %broadcast_in_dim3A_486 : vector<1024x128xi1>, vector<1024x128xbf16>
    %max3A_488 = arith.maximumf %max3A_472, %select_n3A_487 : vector<1024x128xbf16>
    %slice3A_489 = vector.extract_strided_slice %convert_element_type3A_9 {offsets = [0, 3840], sizes = [1024, 128], strides = [1, 1]} : vector<1024x4096xbf16> to vector<1024x128xbf16>
    %get3A_490 = arith.constant 0 : index
    %get3A_491 = arith.constant 3840 : index
    %get3A_492 = vector.load %arg4[%get3A_490, %get3A_491] : memref<1x4096xbf16, #tpu.memory_space<vmem>>, vector<1x128xbf16>
    %add3A_493 = vector.broadcast %get3A_492 : vector<1x128xbf16> to vector<1024x128xbf16>
    %add3A_494 = arith.addf %slice3A_489, %add3A_493 : vector<1024x128xbf16>
    %sub3A_495 = arith.constant 3840 : i32
    %sub3A_496 = arith.subi %sub3A_14, %sub3A_495 : i32
    %lt3A_497 = vector.broadcast %sub3A_496 : i32 to vector<1x128xi32>
    %lt3A_498 = arith.cmpi slt, %iota3A, %lt3A_497 : vector<1x128xi32>
    %jit3A_499 = arith.constant 0xFF80 : bf16
    %broadcast_in_dim3A_500 = vector.shape_cast %lt3A_498 : vector<1x128xi1> to vector<1x128xi1>
    %broadcast_in_dim3A_501 = vector.broadcast %broadcast_in_dim3A_500 : vector<1x128xi1> to vector<1024x128xi1>
    %broadcast_in_dim3A_502 = vector.broadcast %jit3A_499 : bf16 to vector<1024x128xbf16>
    %select_n3A_503 = arith.select %broadcast_in_dim3A_501, %add3A_494, %broadcast_in_dim3A_502 : vector<1024x128xi1>, vector<1024x128xbf16>
    %max3A_504 = arith.maximumf %max3A_488, %select_n3A_503 : vector<1024x128xbf16>
    %slice3A_505 = vector.extract_strided_slice %convert_element_type3A_9 {offsets = [0, 3968], sizes = [1024, 128], strides = [1, 1]} : vector<1024x4096xbf16> to vector<1024x128xbf16>
    %get3A_506 = arith.constant 0 : index
    %get3A_507 = arith.constant 3968 : index
    %get3A_508 = vector.load %arg4[%get3A_506, %get3A_507] : memref<1x4096xbf16, #tpu.memory_space<vmem>>, vector<1x128xbf16>
    %add3A_509 = vector.broadcast %get3A_508 : vector<1x128xbf16> to vector<1024x128xbf16>
    %add3A_510 = arith.addf %slice3A_505, %add3A_509 : vector<1024x128xbf16>
    %sub3A_511 = arith.constant 3968 : i32
    %sub3A_512 = arith.subi %sub3A_14, %sub3A_511 : i32
    %lt3A_513 = vector.broadcast %sub3A_512 : i32 to vector<1x128xi32>
    %lt3A_514 = arith.cmpi slt, %iota3A, %lt3A_513 : vector<1x128xi32>
    %jit3A_515 = arith.constant 0xFF80 : bf16
    %broadcast_in_dim3A_516 = vector.shape_cast %lt3A_514 : vector<1x128xi1> to vector<1x128xi1>
    %broadcast_in_dim3A_517 = vector.broadcast %broadcast_in_dim3A_516 : vector<1x128xi1> to vector<1024x128xi1>
    %broadcast_in_dim3A_518 = vector.broadcast %jit3A_515 : bf16 to vector<1024x128xbf16>
    %select_n3A_519 = arith.select %broadcast_in_dim3A_517, %add3A_510, %broadcast_in_dim3A_518 : vector<1024x128xi1>, vector<1024x128xbf16>
    %max3A_520 = arith.maximumf %max3A_504, %select_n3A_519 : vector<1024x128xbf16>
    %sub3A_521 = arith.subf %select_n3A, %max3A_520 : vector<1024x128xbf16>
    %exp23A = math.exp2 %sub3A_521 : vector<1024x128xbf16>
    %sub3A_522 = arith.subf %select_n3A_39, %max3A_520 : vector<1024x128xbf16>
    %exp23A_523 = math.exp2 %sub3A_522 : vector<1024x128xbf16>
    %sub3A_524 = arith.subf %select_n3A_55, %max3A_520 : vector<1024x128xbf16>
    %exp23A_525 = math.exp2 %sub3A_524 : vector<1024x128xbf16>
    %sub3A_526 = arith.subf %select_n3A_71, %max3A_520 : vector<1024x128xbf16>
    %exp23A_527 = math.exp2 %sub3A_526 : vector<1024x128xbf16>
    %sub3A_528 = arith.subf %select_n3A_87, %max3A_520 : vector<1024x128xbf16>
    %exp23A_529 = math.exp2 %sub3A_528 : vector<1024x128xbf16>
    %sub3A_530 = arith.subf %select_n3A_103, %max3A_520 : vector<1024x128xbf16>
    %exp23A_531 = math.exp2 %sub3A_530 : vector<1024x128xbf16>
    %sub3A_532 = arith.subf %select_n3A_119, %max3A_520 : vector<1024x128xbf16>
    %exp23A_533 = math.exp2 %sub3A_532 : vector<1024x128xbf16>
    %sub3A_534 = arith.subf %select_n3A_135, %max3A_520 : vector<1024x128xbf16>
    %exp23A_535 = math.exp2 %sub3A_534 : vector<1024x128xbf16>
    %sub3A_536 = arith.subf %select_n3A_151, %max3A_520 : vector<1024x128xbf16>
    %exp23A_537 = math.exp2 %sub3A_536 : vector<1024x128xbf16>
    %sub3A_538 = arith.subf %select_n3A_167, %max3A_520 : vector<1024x128xbf16>
    %exp23A_539 = math.exp2 %sub3A_538 : vector<1024x128xbf16>
    %sub3A_540 = arith.subf %select_n3A_183, %max3A_520 : vector<1024x128xbf16>
    %exp23A_541 = math.exp2 %sub3A_540 : vector<1024x128xbf16>
    %sub3A_542 = arith.subf %select_n3A_199, %max3A_520 : vector<1024x128xbf16>
    %exp23A_543 = math.exp2 %sub3A_542 : vector<1024x128xbf16>
    %sub3A_544 = arith.subf %select_n3A_215, %max3A_520 : vector<1024x128xbf16>
    %exp23A_545 = math.exp2 %sub3A_544 : vector<1024x128xbf16>
    %sub3A_546 = arith.subf %select_n3A_231, %max3A_520 : vector<1024x128xbf16>
    %exp23A_547 = math.exp2 %sub3A_546 : vector<1024x128xbf16>
    %sub3A_548 = arith.subf %select_n3A_247, %max3A_520 : vector<1024x128xbf16>
    %exp23A_549 = math.exp2 %sub3A_548 : vector<1024x128xbf16>
    %sub3A_550 = arith.subf %select_n3A_263, %max3A_520 : vector<1024x128xbf16>
    %exp23A_551 = math.exp2 %sub3A_550 : vector<1024x128xbf16>
    %sub3A_552 = arith.subf %select_n3A_279, %max3A_520 : vector<1024x128xbf16>
    %exp23A_553 = math.exp2 %sub3A_552 : vector<1024x128xbf16>
    %sub3A_554 = arith.subf %select_n3A_295, %max3A_520 : vector<1024x128xbf16>
    %exp23A_555 = math.exp2 %sub3A_554 : vector<1024x128xbf16>
    %sub3A_556 = arith.subf %select_n3A_311, %max3A_520 : vector<1024x128xbf16>
    %exp23A_557 = math.exp2 %sub3A_556 : vector<1024x128xbf16>
    %sub3A_558 = arith.subf %select_n3A_327, %max3A_520 : vector<1024x128xbf16>
    %exp23A_559 = math.exp2 %sub3A_558 : vector<1024x128xbf16>
    %sub3A_560 = arith.subf %select_n3A_343, %max3A_520 : vector<1024x128xbf16>
    %exp23A_561 = math.exp2 %sub3A_560 : vector<1024x128xbf16>
    %sub3A_562 = arith.subf %select_n3A_359, %max3A_520 : vector<1024x128xbf16>
    %exp23A_563 = math.exp2 %sub3A_562 : vector<1024x128xbf16>
    %sub3A_564 = arith.subf %select_n3A_375, %max3A_520 : vector<1024x128xbf16>
    %exp23A_565 = math.exp2 %sub3A_564 : vector<1024x128xbf16>
    %sub3A_566 = arith.subf %select_n3A_391, %max3A_520 : vector<1024x128xbf16>
    %exp23A_567 = math.exp2 %sub3A_566 : vector<1024x128xbf16>
    %sub3A_568 = arith.subf %select_n3A_407, %max3A_520 : vector<1024x128xbf16>
    %exp23A_569 = math.exp2 %sub3A_568 : vector<1024x128xbf16>
    %sub3A_570 = arith.subf %select_n3A_423, %max3A_520 : vector<1024x128xbf16>
    %exp23A_571 = math.exp2 %sub3A_570 : vector<1024x128xbf16>
    %sub3A_572 = arith.subf %select_n3A_439, %max3A_520 : vector<1024x128xbf16>
    %exp23A_573 = math.exp2 %sub3A_572 : vector<1024x128xbf16>
    %sub3A_574 = arith.subf %select_n3A_455, %max3A_520 : vector<1024x128xbf16>
    %exp23A_575 = math.exp2 %sub3A_574 : vector<1024x128xbf16>
    %sub3A_576 = arith.subf %select_n3A_471, %max3A_520 : vector<1024x128xbf16>
    %exp23A_577 = math.exp2 %sub3A_576 : vector<1024x128xbf16>
    %sub3A_578 = arith.subf %select_n3A_487, %max3A_520 : vector<1024x128xbf16>
    %exp23A_579 = math.exp2 %sub3A_578 : vector<1024x128xbf16>
    %sub3A_580 = arith.subf %select_n3A_503, %max3A_520 : vector<1024x128xbf16>
    %exp23A_581 = math.exp2 %sub3A_580 : vector<1024x128xbf16>
    %sub3A_582 = arith.subf %select_n3A_519, %max3A_520 : vector<1024x128xbf16>
    %exp23A_583 = math.exp2 %sub3A_582 : vector<1024x128xbf16>
    %add3A_584 = arith.addf %exp23A, %exp23A_523 : vector<1024x128xbf16>
    %add3A_585 = arith.addf %exp23A_525, %exp23A_527 : vector<1024x128xbf16>
    %add3A_586 = arith.addf %exp23A_529, %exp23A_531 : vector<1024x128xbf16>
    %add3A_587 = arith.addf %exp23A_533, %exp23A_535 : vector<1024x128xbf16>
    %add3A_588 = arith.addf %exp23A_537, %exp23A_539 : vector<1024x128xbf16>
    %add3A_589 = arith.addf %exp23A_541, %exp23A_543 : vector<1024x128xbf16>
    %add3A_590 = arith.addf %exp23A_545, %exp23A_547 : vector<1024x128xbf16>
    %add3A_591 = arith.addf %exp23A_549, %exp23A_551 : vector<1024x128xbf16>
    %add3A_592 = arith.addf %exp23A_553, %exp23A_555 : vector<1024x128xbf16>
    %add3A_593 = arith.addf %exp23A_557, %exp23A_559 : vector<1024x128xbf16>
    %add3A_594 = arith.addf %exp23A_561, %exp23A_563 : vector<1024x128xbf16>
    %add3A_595 = arith.addf %exp23A_565, %exp23A_567 : vector<1024x128xbf16>
    %add3A_596 = arith.addf %exp23A_569, %exp23A_571 : vector<1024x128xbf16>
    %add3A_597 = arith.addf %exp23A_573, %exp23A_575 : vector<1024x128xbf16>
    %add3A_598 = arith.addf %exp23A_577, %exp23A_579 : vector<1024x128xbf16>
    %add3A_599 = arith.addf %exp23A_581, %exp23A_583 : vector<1024x128xbf16>
    %add3A_600 = arith.addf %add3A_584, %add3A_585 : vector<1024x128xbf16>
    %add3A_601 = arith.addf %add3A_586, %add3A_587 : vector<1024x128xbf16>
    %add3A_602 = arith.addf %add3A_588, %add3A_589 : vector<1024x128xbf16>
    %add3A_603 = arith.addf %add3A_590, %add3A_591 : vector<1024x128xbf16>
    %add3A_604 = arith.addf %add3A_592, %add3A_593 : vector<1024x128xbf16>
    %add3A_605 = arith.addf %add3A_594, %add3A_595 : vector<1024x128xbf16>
    %add3A_606 = arith.addf %add3A_596, %add3A_597 : vector<1024x128xbf16>
    %add3A_607 = arith.addf %add3A_598, %add3A_599 : vector<1024x128xbf16>
    %add3A_608 = arith.addf %add3A_600, %add3A_601 : vector<1024x128xbf16>
    %add3A_609 = arith.addf %add3A_602, %add3A_603 : vector<1024x128xbf16>
    %add3A_610 = arith.addf %add3A_604, %add3A_605 : vector<1024x128xbf16>
    %add3A_611 = arith.addf %add3A_606, %add3A_607 : vector<1024x128xbf16>
    %add3A_612 = arith.addf %add3A_608, %add3A_609 : vector<1024x128xbf16>
    %add3A_613 = arith.addf %add3A_610, %add3A_611 : vector<1024x128xbf16>
    %add3A_614 = arith.addf %add3A_612, %add3A_613 : vector<1024x128xbf16>
    %convert_element_type3A_615 = arith.extf %add3A_614 : vector<1024x128xbf16> to vector<1024x128xf32>
    %sub3A_616 = arith.subf %get3A_12, %max3A_520 : vector<1024x128xbf16>
    %convert_element_type3A_617 = arith.extf %sub3A_616 : vector<1024x128xbf16> to vector<1024x128xf32>
    %exp23A_618 = math.exp2 %convert_element_type3A_617 : vector<1024x128xf32>
    %get3A_619 = arith.constant 0 : index
    %get3A_620 = arith.constant 0 : index
    %get3A_621 = vector.load %arg8[%get3A_619, %get3A_620] : memref<1024x128xf32, #tpu.memory_space<vmem>>, vector<1024x128xf32>
    %mul3A_622 = arith.mulf %get3A_621, %exp23A_618 : vector<1024x128xf32>
    %add3A_623 = arith.addf %mul3A_622, %convert_element_type3A_615 : vector<1024x128xf32>
    %swap3A = arith.constant 0 : index
    %swap3A_624 = arith.constant 0 : index
    %swap3A_625 = vector.load %arg7[%swap3A, %swap3A_624] : memref<1024x128xbf16, #tpu.memory_space<vmem>>, vector<1024x128xbf16>
    tpu.vector_store %arg7[%swap3A, %swap3A_624], %max3A_520 {strides = array<i32>} : memref<1024x128xbf16, #tpu.memory_space<vmem>>, vector<1024x128xbf16>,
    %swap3A_626 = arith.constant 0 : index
    %swap3A_627 = arith.constant 0 : index
    %swap3A_628 = vector.load %arg8[%swap3A_626, %swap3A_627] : memref<1024x128xf32, #tpu.memory_space<vmem>>, vector<1024x128xf32>
    tpu.vector_store %arg8[%swap3A_626, %swap3A_627], %add3A_623 {strides = array<i32>} : memref<1024x128xf32, #tpu.memory_space<vmem>>, vector<1024x128xf32>,
    %eq3A_629 = arith.constant 24 : i32
    %eq3A_630 = arith.cmpi eq, %arg1, %eq3A_629 : i32
    %convert_element_type3A_631 = arith.extui %eq3A_630 : i1 to i32
    %cond3A_632 = arith.constant 0 : i32
    %cond3A_633 = arith.cmpi ne, %convert_element_type3A_631, %cond3A_632 : i32
    scf.if %cond3A_633 {
      %convert_element_type3A_634 = arith.extf %max3A_520 : vector<1024x128xbf16> to vector<1024x128xf32>
      %reduce_max3A = arith.constant dense<0xFF800000> : vector<1024xf32>
      %reduce_max3A_635 = vector.multi_reduction <maximumf>, %convert_element_type3A_634, %reduce_max3A [1] : vector<1024x128xf32> to vector<1024xf32>
      %broadcast_in_dim3A_636 = vector.shape_cast %reduce_max3A_635 : vector<1024xf32> to vector<1024x1xf32>
      %sub3A_637 = vector.broadcast %broadcast_in_dim3A_636 : vector<1024x1xf32> to vector<1024x128xf32>
      %sub3A_638 = arith.subf %convert_element_type3A_634, %sub3A_637 : vector<1024x128xf32>
      %exp23A_639 = math.exp2 %sub3A_638 : vector<1024x128xf32>
      %mul3A_640 = arith.mulf %add3A_623, %exp23A_639 : vector<1024x128xf32>
      %reduce_sum3A = arith.constant dense<0.000000e+00> : vector<1024xf32>
      %reduce_sum3A_641 = vector.multi_reduction <add>, %mul3A_640, %reduce_sum3A [1] : vector<1024x128xf32> to vector<1024xf32>
      %broadcast_in_dim3A_642 = vector.shape_cast %reduce_sum3A_641 : vector<1024xf32> to vector<1024x1xf32>
      %convert_element_type3A_643 = arith.extf %get3A_3 : vector<1024x33xbf16> to vector<1024x33xf32>
      %get3A_644 = arith.constant 0 : index
      %get3A_645 = arith.constant 0 : index
      %get3A_646 = vector.load %arg5[%get3A_644, %get3A_645] : memref<1024x33xf32, #tpu.memory_space<vmem>>, vector<1024x33xf32>
      %mul3A_647 = arith.mulf %convert_element_type3A_643, %get3A_646 : vector<1024x33xf32>
      %reduce_sum3A_648 = arith.constant dense<0.000000e+00> : vector<1024xf32>
      %reduce_sum3A_649 = vector.multi_reduction <add>, %mul3A_647, %reduce_sum3A_648 [1] : vector<1024x33xf32> to vector<1024xf32>
      %broadcast_in_dim3A_650 = vector.shape_cast %reduce_sum3A_649 : vector<1024xf32> to vector<1024x1xf32>
      %sub3A_651 = arith.subf %broadcast_in_dim3A_636, %broadcast_in_dim3A_650 : vector<1024x1xf32>
      %mul3A_652 = arith.constant 0.693147182 : f32
      %mul3A_653 = vector.broadcast %mul3A_652 : f32 to vector<1024x1xf32>
      %mul3A_654 = arith.mulf %sub3A_651, %mul3A_653 : vector<1024x1xf32>
      %log3A = math.log %broadcast_in_dim3A_642 : vector<1024x1xf32>
      %add3A_655 = arith.addf %mul3A_654, %log3A : vector<1024x1xf32>
      %reduce_sum3A_656 = vector.shape_cast %add3A_655 : vector<1024x1xf32> to vector<1x1024x1xf32>
      %reduce_sum3A_657 = arith.constant dense<0.000000e+00> : vector<1xf32>
      %reduce_sum3A_658 = vector.multi_reduction <add>, %reduce_sum3A_656, %reduce_sum3A_657 [1, 2] : vector<1x1024x1xf32> to vector<1xf32>
      %reduce_sum3A_659 = vector.shape_cast %reduce_sum3A_658 : vector<1xf32> to vector<1x1x1xf32>
      %reduce_sum3A_660 = vector.extract %reduce_sum3A_659[0, 0, 0] : f32 from vector<1x1x1xf32>
      %eq3A_661 = arith.constant 0 : i32
      %eq3A_662 = arith.cmpi eq, %arg0, %eq3A_661 : i32
      %get3A_663 = arith.constant 0 : index
      %get3A_664 = arith.constant 0 : index
      %get3A_665 = memref.load %arg9[%get3A_663, %get3A_664] : memref<1x1xf32, #tpu.memory_space<smem>>
      %jit3A_666 = arith.constant 0.000000e+00 : f32
      %select_n3A_667 = arith.select %eq3A_662, %jit3A_666, %get3A_665 : f32
      %add3A_668 = arith.addf %select_n3A_667, %reduce_sum3A_660 : f32
      %swap3A_669 = arith.constant 0 : index
      %swap3A_670 = arith.constant 0 : index
      %swap3A_671 = memref.load %arg9[%swap3A_669, %swap3A_670] : memref<1x1xf32, #tpu.memory_space<smem>>
      memref.store %add3A_668, %arg9[%swap3A_669, %swap3A_670] : memref<1x1xf32, #tpu.memory_space<smem>>
      %eq3A_672 = arith.constant 3 : i32
      %eq3A_673 = arith.cmpi eq, %arg0, %eq3A_672 : i32
      %convert_element_type3A_674 = arith.extui %eq3A_673 : i1 to i32
      %cond3A_675 = arith.constant 0 : i32
      %cond3A_676 = arith.cmpi ne, %convert_element_type3A_674, %cond3A_675 : i32
      scf.if %cond3A_676 {
        %div3A = arith.constant 4.096000e+03 : f32
        %div3A_677 = arith.divf %add3A_668, %div3A : f32
        %broadcast_in_dim3A_678 = vector.broadcast %div3A_677 : f32 to vector<1x1xf32>
        %swap3A_679 = arith.constant 0 : index
        %swap3A_680 = arith.constant 0 : index
        %swap3A_681 = vector.load %arg6[%swap3A_679, %swap3A_680] : memref<1x1xf32, #tpu.memory_space<vmem>>, vector<1x1xf32>
        tpu.vector_store %arg6[%swap3A_679, %swap3A_680], %broadcast_in_dim3A_678 {strides = array<i32>} : memref<1x1xf32, #tpu.memory_space<vmem>>, vector<1x1xf32>,
      } else {
      }
    } else {
    }
    return
  }
  func.func @transform_0(%arg0: i32, %arg1: i32) -> (i32, i32) {
    %c0_i32 = arith.constant 0 : i32
    %c0_i32_0 = arith.constant 0 : i32
    return %arg0, %c0_i32 : i32, i32
  }
  func.func @transform_1(%arg0: i32, %arg1: i32) -> (i32, i32) {
    %c0_i32 = arith.constant 0 : i32
    %c0_i32_0 = arith.constant 0 : i32
    return %arg1, %c0_i32 : i32, i32
  }
  func.func @transform_2(%arg0: i32, %arg1: i32) -> (i32, i32) {
    %c0_i32 = arith.constant 0 : i32
    %c0_i32_0 = arith.constant 0 : i32
    return %c0_i32, %arg1 : i32, i32
  }
  func.func @transform_3(%arg0: i32, %arg1: i32) -> (i32, i32) {
    %c0_i32 = arith.constant 0 : i32
    %c0_i32_0 = arith.constant 0 : i32
    return %arg0, %c0_i32 : i32, i32
  }
  func.func @transform_4(%arg0: i32, %arg1: i32) -> (i32, i32) {
    %c0_i32 = arith.constant 0 : i32
    %c0_i32_0 = arith.constant 0 : i32
    %c0_i32_1 = arith.constant 0 : i32
    return %c0_i32, %c0_i32_0 : i32, i32
  }
}

</mosaic_0001>

<sc_bundles>
// kernel: kernel.4.cloned.1.call-start
scs
__scs_entry_jumppad:
0x0: {  	(pc) =	sbr.rel $0x88, $3  }
0x1: {  	(tag) =	ssettag $0x0;
	lr =	simm.s32 $0x1  }
0x2: {  	[smem:$0x3F9C] =	sst lr;
	_ =	strace $0xD0000000  }
0x3: {  	_ = 	snop  }
0x4: {  	_ = 	snop  }
0x5: {  	_ = 	snop  }
0x6: {  	_ = 	snop  }
0x7: {  	_ = 	snop  }
__scs_overlays_trampoline_lowered:
0x8: {  	[smem:$0x3FAB] =	sst s0  }
0x9: {  	[smem:$0x3FAC] =	sst s1  }
0xa: {  	[smem:$0x3FAD] =	sst s2  }
0xb: {  	[smem:$0x3FAE] =	sst s3  }
0xc: {  	[smem:$0x3FAF] =	sst s4  }
0xd: {  	[smem:$0x3FB0] =	sst s5  }
0xe: {  	[smem:$0x3FB1] =	sst s6  }
0xf: {  	[smem:$0x3FB2] =	sst s7  }
0x10: {  	[smem:$0x3FB3] =	sst s8  }
0x11: {  	[smem:$0x3FB4] =	sst s9;
	s0 =	simm.s32 @!p0 $0x0  }
0x12: {  	s1 =	sld [smem:$0x3F9A];
	s0 =	simm.s32 @p0 $0x1  }
0x13: {  	[smem:$0x3FB5] =	sst s0;
	s0 =	simm.s32 @!p1 $0x0  }
0x14: {  	s2 =	sld [smem:$0x3F99];
	s0 =	simm.s32 @p1 $0x1  }
0x15: {  	[smem:$0x3FB6] =	sst s0;
	s0 =	simm.s32 @!p2 $0x0  }
0x16: {  	s3 =	sld [smem:$0x3FDB];
	s0 =	simm.s32 @p2 $0x1  }
0x17: {  	s4 =	simm.s32 $0x1BF5;
	[smem:$0x3FB8] =	sst s0  }
0x18: {  	s0 =	sld [smem:$0x3F9B];
	_ =	swait.ge [sflag:s4], $0x0  }
0x19: {  	s7 =	sld [smem:$0x3F9C]  }
0x1a: {  	s8 =	sadd.s32 $0xFFFFE003, lr  }
0x1b: {  	s9 =	sadd.s32 $0xFFFFFEF7, lr;
	s5 =	simm.s32 $0xFFFFFFFF;
	p2 =	slt.u32 s8, $0xFFFFF086  }
0x1c: {  	p1 =	slt.u32 s9, $0xF7A;
	s5 =	simm.s32 @!p2 $0x0  }
0x1d: {  	s5 =	simm.s32 @p1 $0x1;
	p0 =	seq.s32 s7, s2  }
0x1e: {  	s7 =	smul.u32 @!p0 $0xF7A, s2;
	p2 =	seq.s32 @!p0 s5, $0x0  }
0x1f: {  	s9 =	smul.u32 $0xF7A, s1;
	s8 =	simm.s32 @!p0 $0x1BF5;
	p2 =	por !p2, p0  }
0x20: {  	[sflag:s8] =	ssyncset.s32 @!p0 $0xFFFFF086;
	s6 =	sadd.s32 @!p0 s3, s7;
	s7 =	simm.s32 @!p0 $0x108  }
0x21: {  	s3 =	sadd.s32 s3, s9;
	s6 =	sadd.s32 @!p0 $0x88, s6;
	s7 =	simm.s32 @p2 $0x1082  }
0x22: {  	[simem:s7], [sflag:s8] =	dma.local @!p0 [hbm:s6], $0xF7A  }
0x23: {  	s9 =	sor.u32 $0xD0000000, s2;
	s6 =	simm.s32 $0x108;
	_ =	swait.ge @!p0 [sflag:s8], $0x0  }
0x24: {  	s3 =	sadd.s32 $0x88, s3;
	s6 =	simm.s32 @!p1 $0x1082;
	[sflag:s4] =	ssyncset.s32 $0xFFFFF086  }
0x25: {  	[simem:s6], [sflag:s4] =	dma.local [hbm:s3], $0xF7A  }
0x26: {  	[smem:$0x3F9C] =	sst s1;
	(tag) =	ssettag s2;
	_ =	strace s9  }
0x27: {  	s1 =	sld [smem:$0x3FAC]  }
0x28: {  	s2 =	sld [smem:$0x3FAD]  }
0x29: {  	s4 =	sld [smem:$0x3FAF]  }
0x2a: {  	p0 =	seq.s32 s5, $0x0;
	s5 =	sld [smem:$0x3FB0]  }
0x2b: {  	s6 =	sld [smem:$0x3FB1]  }
0x2c: {  	s7 =	sld [smem:$0x3FB2]  }
0x2d: {  	s3 =	simm.s32 $0x108;
	s8 =	sld [smem:$0x3FB3]  }
0x2e: {  	s3 =	simm.s32 @!p0 $0x1082;
	s9 =	sld [smem:$0x3FB4]  }
0x2f: {  	lr =	sadd.s32 s0, s3;
	s0 =	sld [smem:$0x3FAB]  }
0x30: {  	s3 =	sld [smem:$0x3FAE]  }
0x31: {  	[smem:$0x3FB7] =	sst s10  }
0x32: {  	s10 =	sld [smem:$0x3FB5];
	_ =	sdelay $0x3  }
0x33: {  	p0 =	seq.s32 s10, $0x1;
	s10 =	sld [smem:$0x3FB7];
	_ =	sdelay $0x3  }
0x34: {  	[smem:$0x3FB7] =	sst s10  }
0x35: {  	s10 =	sld [smem:$0x3FB6];
	_ =	sdelay $0x3  }
0x36: {  	p1 =	seq.s32 s10, $0x1;
	s10 =	sld [smem:$0x3FB7];
	_ =	sdelay $0x3  }
0x37: {  	[smem:$0x3FB7] =	sst s10  }
0x38: {  	s10 =	sld [smem:$0x3FB8]  }
0x39: {  	_ = 	snop;
	(pc) =	sbr.ind lr, $3  }
0x3a: {  	_ = 	snop  }
0x3b: {  	_ = 	snop  }
0x3c: {  	p2 =	seq.s32 s10, $0x1;
	s10 =	sld [smem:$0x3FB7]  }
0x3d: {  	_ =	shalt  }
0x3e: {  	_ =	shalt  }
0x3f: {  	_ =	shalt  }
0x40: {  	_ =	shalt  }
0x41: {  	_ =	shalt  }
0x42: {  	_ =	shalt  }
0x43: {  	_ =	shalt  }
0x44: {  	_ =	shalt  }
0x45: {  	_ =	shalt  }
0x46: {  	_ =	shalt  }
0x47: {  	_ =	shalt  }
0x48: {  	_ =	shalt  }
0x49: {  	_ =	shalt  }
0x4a: {  	_ =	shalt  }
0x4b: {  	_ =	shalt  }
0x4c: {  	_ =	shalt  }
0x4d: {  	_ =	shalt  }
0x4e: {  	_ =	shalt  }
0x4f: {  	_ =	shalt  }
0x50: {  	_ =	shalt  }
0x51: {  	_ =	shalt  }
0x52: {  	_ =	shalt  }
0x53: {  	_ =	shalt  }
0x54: {  	_ =	shalt  }
0x55: {  	_ =	shalt  }
0x56: {  	_ =	shalt  }
0x57: {  	_ =	shalt  }
0x58: {  	_ =	shalt  }
0x59: {  	_ =	shalt  }
0x5a: {  	_ =	shalt  }
0x5b: {  	_ =	shalt  }
0x5c: {  	_ =	shalt  }
0x5d: {  	_ =	shalt  }
0x5e: {  	_ =	shalt  }
0x5f: {  	_ =	shalt  }
0x60: {  	_ =	shalt  }
0x61: {  	_ =	shalt  }
0x62: {  	_ =	shalt  }
0x63: {  	_ =	shalt  }
0x64: {  	_ =	shalt  }
0x65: {  	_ =	shalt  }
0x66: {  	_ =	shalt  }
0x67: {  	_ =	shalt  }
0x68: {  	_ =	shalt  }
0x69: {  	_ =	shalt  }
0x6a: {  	_ =	shalt  }
0x6b: {  	_ =	shalt  }
0x6c: {  	_ =	shalt  }
0x6d: {  	_ =	shalt  }
0x6e: {  	_ =	shalt  }
0x6f: {  	_ =	shalt  }
0x70: {  	_ =	shalt  }
0x71: {  	_ =	shalt  }
0x72: {  	_ =	shalt  }
0x73: {  	_ =	shalt  }
0x74: {  	_ =	shalt  }
0x75: {  	_ =	shalt  }
0x76: {  	_ =	shalt  }
0x77: {  	_ =	shalt  }
0x78: {  	_ =	shalt  }
0x79: {  	_ =	shalt  }
0x7a: {  	_ =	shalt  }
0x7b: {  	_ =	shalt  }
0x7c: {  	_ =	shalt  }
0x7d: {  	_ =	shalt  }
0x7e: {  	_ =	shalt  }
0x7f: {  	_ =	shalt  }
0x80: {  	_ =	shalt  }
0x81: {  	_ =	shalt  }
0x82: {  	_ =	shalt  }
0x83: {  	_ =	shalt  }
0x84: {  	_ =	shalt  }
0x85: {  	_ =	shalt  }
0x86: {  	_ =	shalt  }
0x87: {  	_ =	shalt  }
.Lfunc_end0:
.L_simem_size_0:
called_computation_lowered:
.L_overlay_start_0:
0x88: {  	s2 =	sld [smem:$0x3FD9]  }
0x89: {  	s3 =	sld [smem:$0x3FFE];
	_ =	sdelay $0x1  }
0x8a: {  	s1 =	srdreg.scid  }
0x8b: {  	s0 =	sand.u32 $0x1, s1  }
0x8c: {  	s17 =	sshll.u32 s0, $0xA;
	s2 =	sadd.s32 s3, s2  }
0x8d: {  	s2 =	sadd.s32 s2, s17  }
0x8e: {  	[smem:$0x3FC3] =	sst s2  }
0x8f: {  	_ = 	snop  }
0x90: {  	s2 =	sld [smem:$0x3FC8];
	(tm) =	ssettm $0x1  }
0x91: {  	s18 =	sld [smem:$0x3FFB];
	_ =	sdelay $0x3  }
0x92: {  	_ =	strace s18  }
0x93: {  	s3 =	sld [smem:$0x3FFC];
	_ =	sdelay $0x3  }
0x94: {  	_ =	strace s3  }
0x95: {  	s3 =	sld [smem:$0x3FFD];
	_ =	sdelay $0x3  }
0x96: {  	_ =	strace s3  }
0x97: {  	_ =	strace $0x8FFFFFFF  }
0x98: {  	s19 =	sld [smem:$0x3FDB];
	_ =	sdelay $0x1  }
0x99: {  	s4 =	simm.s32 $_scs_section_size  }
0x9a: {  	s5 =	simm.s32 $_size__tile_overlayer_lowered;
	s6 =	simm.s32 $_tile_overlayer_lowered  }
0x9b: {  	s22 =	simm.s32 $0x1BFF;
	s21 =	sshll.u32 s6, $0x1;
	s3 =	sadd.s32 s4, s19  }
0x9c: {  	s7 =	simm.s32 $0x0;
	s20 =	sshll.u32 s5, $0x1;
	s5 =	sadd.s32 s21, s3  }
0x9d: {  	[timem:s7], [sflag:s22] =	dma.local [hbm:s5], s20  }
0x9e: {  	_ =	swait.ge [sflag:s22], s20  }
0x9f: {  	s4 =	ssub.s32 $0x0, s20;
	[sflag:s22] =	ssyncset.done $0x0  }
0xa0: {  	[sflag:s22] =	ssyncadd.s32 s4;
	_ =	sdelay $0x1  }
0xa1: {  	s23 =	simm.s32 $0x1B8B  }
0xa2: {  	_ =	swait.ge [sflag:s23], $0x1  }
0xa3: {  	[sflag:s23] =	ssyncset.done $0x0  }
0xa4: {  	s25 =	simm.s32 $0x1B8E;
	s24 =	sld [smem:$0x3FFE];
	[sflag:s23] =	ssyncadd.s32 $0xFFFFFFFF  }
0xa5: {  	s26 =	simm.s32 $execute0_lowered;
	[smem:$0x3FD2] =	sst s25  }
0xa6: {  	s5 =	sshll.u32 s26, $0x1;
	_ =	strace $0x80000046;
	[dreg:$0x1] =	wrdreg $0xFFFFFFFF  }
0xa7: {  	s28 =	simm.s32 $_size_execute0_lowered;
	s3 =	sadd.s32 s3, s5;
	[dreg:$0x0] =	wrdreg $0x0  }
0xa8: {  	s5 =	sshll.u32 s28, $0x1;
	[dreg:$0x2] =	wrdreg s3  }
0xa9: {  	[dreg:$0x3] =	wrdreg s5  }
0xaa: {  	[dreg:$0x4] =	wrdreg $0xC0  }
0xab: {  	_ =	task [dreg:s7], $0x5FFFF  }
0xac: {  	[dreg:$0x1] =	wrdreg $0xFFFFFFFF  }
0xad: {  	[dreg:$0x0] =	wrdreg $0x60  }
0xae: {  	[dreg:$0x2] =	wrdreg s24  }
0xaf: {  	[dreg:$0x3] =	wrdreg s2  }
0xb0: {  	[dreg:$0x4] =	wrdreg $0x9  }
0xb1: {  	_ =	task.clear_ibuf [dreg:s7], $0x5FFFF;
	_ =	strace $0x90000046  }
0xb2: {  	s29 =	simm.s32 $0x9;
	_ =	strace $0x80000048  }
0xb3: {  	_ =	swait.ge [sflag:s29], $0x1  }
0xb4: {  	[sflag:s29] =	ssyncadd.s32 $0xFFFFFFFF  }
0xb5: {  	_ =	strace $0x90000048  }
0xb6: {  	_ =	sfence  }
0xb7: {  	s30 =	sld [smem:$0x0];
	_ =	sdelay $0x2  }
0xb8: {  	s31 =	sshll.u32 s1, $0xD;
	s1 =	sshrl.u32 s1, $0x2  }
0xb9: {  	s3 =	sand.u32 $0x4000, s31;
	s1 =	sadd.s32 s1, s30  }
0xba: {  	s0 =	sor.u32 s3, s0;
	s1 =	sshll.u32 s1, $0x11  }
0xbb: {  	s0 =	sor.u32 s1, s0  }
0xbc: {  	s0 =	sadd.s32 $0x8F2B, s0  }
0xbd: {  	[sflag:s0] =	ssyncadd.remote.s32 $0x1  }
0xbe: {  	_ =	sfence.sel $0xFFFF  }
0xbf: {  	[dreg:$0x0] =	wrdreg $0xFFFFFFFF;
	(pc) =	sbr.abs _section_cstart, $3  }
0xc0: {  	[dreg:$0x1] =	wrdreg $0xFFFFFFFF  }
0xc1: {  	_ =	task.clear_ibuf [dreg:s7], $0x2FFFF;
	_ =	strace $0x9FFFFFFF  }
0xc2: {  	(tm) =	ssettm $0x7FFFFFFF  }
0xc3: {  	_ =	shalt  }
tec
execute0_lowered:
.L_overlay_start_1:
0x0: {  	(tag) =	ssettag $0x1  }
0x1: {  	s0 =	rddreg [dreg:$0x0]  }
0x2: {  	s1 =	rddreg [dreg:$0x1]  }
0x3: {  	s2 =	srdreg.scid;
	s3 =	stileid.u32  }
0x4: {  	s12 =	simm.s32 $0x80;
	s14 =	simm.s32 $0x2;
	s24 =	simm.s32 $0x780  }
0x5: {  	s25 =	simm.s32 $0xFA00;
	s28 =	simm.s32 $0x10A00;
	s29 =	simm.s32 $0x880  }
0x6: {  	s30 =	simm.s32 $0x11A00;
	s31 =	simm.s32 $0x900;
	s13 =	simm.s32 $0x13A00  }
0x7: {  	s15 =	simm.s32 $0x1;
	s16 =	simm.s32 $0x14A00;
	s17 =	simm.s32 $0x15A00  }
0x8: {  	s18 =	simm.s32 $0x15A80;
	s19 =	simm.s32 $0x16A80;
	s20 =	simm.s32 $0x0  }
0x9: {  	s6 =	sand.u32 $0x1, s2;
	s2 =	simm.s32 $0x0;
	s3 =	sshll.u32 s3, $0x8  }
0xa: {  	s5 =	sadd.s32 $0x1EA600, s0;
	s4 =	sshll.u32 s6, $0x7;
	[smem:$0x7FF] =	sst s2  }
0xb: {  	s6 =	ssub.s32 $0x2, s6;
	s7 =	sor.u32 s4, s3;
	_ =	strace $0x80000047  }
0xc: {  	s3 =	sadd.s32 $0x389800, s0;
	s4 =	sadd.s32 $0x188A00, s0;
	s26 =	sshrl.u32 s6, $0x1  }
0xd: {  	s8 =	sshrl.u32 s7, $0x3;
	s10 =	sshll.u32 s7, $0x2;
	s11 =	ssub.s32 s6, s26  }
0xe: {  	s26 =	simm.s32 $0x800;
	s9 =	sadd.s32 s8, s0;
	s10 =	sadd.s32 s10, s0  }
0xf: {  	s0 =	sadd.s32 s7, s0;
	s8 =	sadd.s32 s1, s8;
	s6 =	sadd.s32 $0x202E00, s9  }
0x10: {  	s11 =	smax.u32 s11, $0x1;
	s7 =	sadd.s32 $0x20A600, s10;
	s9 =	sadd.s32 $0x205600, s10  }
0x11: {  	s1 =	simm.s32 $0x980;
	s10 =	sadd.s32 $0x209600, s0;
	s0 =	simm.s32 $0x12A00  }
.LBB2_1:
0x12: {  	s21 =	simm.s32 $0x1000  }
0x13: {  	[tilespmem:s2], [sflag:$0x2] =	stream.strided.gather [hbm4b:s6+s12], $0xA00, s21, s12, $0x38;
	[tilespmem:$0x16E80] =	vst v63  }
0x14: {  	_ =	swait.ge [sflag:s14], $0xA00  }
0x15: {  	[sflag:s14] =	ssyncset.done $0x0  }
0x16: {  	s23 =	simm.s32 $0xA00;
	[sflag:s14] =	ssyncadd.s32 $0xFFFFF600  }
0x17: {  	[tilespmem:s23], [sflag:$0x1] =	stream.indirect.gather [hbm4b:s3+s12], $0x20, s2, s12, $0xb8;
	[tilespmem:$0x16E80] =	vst v63  }
0x18: {  	s22 =	simm.s32 $0x1A00  }
0x19: {  	[tilespmem:s22], [sflag:$0x1] =	stream.indirect.gather [hbm4b:s3+s12], $0x20, s12, s12, $0xb8;
	[tilespmem:$0x16E80] =	vst v63  }
0x1a: {  	s23 =	simm.s32 $0x100;
	s22 =	simm.s32 $0x2A00  }
0x1b: {  	[tilespmem:s22], [sflag:$0x1] =	stream.indirect.gather [hbm4b:s3+s12], $0x20, s23, s12, $0xb8;
	[tilespmem:$0x16E80] =	vst v63  }
0x1c: {  	s22 =	simm.s32 $0x180;
	s23 =	simm.s32 $0x3A00  }
0x1d: {  	[tilespmem:s23], [sflag:$0x1] =	stream.indirect.gather [hbm4b:s3+s12], $0x20, s22, s12, $0xb8;
	[tilespmem:$0x16E80] =	vst v63  }
0x1e: {  	s22 =	simm.s32 $0x200;
	s23 =	simm.s32 $0x4A00  }
0x1f: {  	[tilespmem:s23], [sflag:$0x1] =	stream.indirect.gather [hbm4b:s3+s12], $0x20, s22, s12, $0xb8;
	[tilespmem:$0x16E80] =	vst v63  }
0x20: {  	s22 =	simm.s32 $0x280;
	s23 =	simm.s32 $0x5A00  }
0x21: {  	[tilespmem:s23], [sflag:$0x1] =	stream.indirect.gather [hbm4b:s3+s12], $0x20, s22, s12, $0xb8;
	[tilespmem:$0x16E80] =	vst v63  }
0x22: {  	s22 =	simm.s32 $0x300;
	s23 =	simm.s32 $0x6A00  }
0x23: {  	[tilespmem:s23], [sflag:$0x1] =	stream.indirect.gather [hbm4b:s3+s12], $0x20, s22, s12, $0xb8;
	[tilespmem:$0x16E80] =	vst v63  }
0x24: {  	s22 =	simm.s32 $0x380;
	s23 =	simm.s32 $0x7A00  }
0x25: {  	[tilespmem:s23], [sflag:$0x1] =	stream.indirect.gather [hbm4b:s3+s12], $0x20, s22, s12, $0xb8;
	[tilespmem:$0x16E80] =	vst v63  }
0x26: {  	s22 =	simm.s32 $0x400;
	s23 =	simm.s32 $0x8A00  }
0x27: {  	[tilespmem:s23], [sflag:$0x1] =	stream.indirect.gather [hbm4b:s3+s12], $0x20, s22, s12, $0xb8;
	[tilespmem:$0x16E80] =	vst v63  }
0x28: {  	s22 =	simm.s32 $0x480;
	s23 =	simm.s32 $0x9A00  }
0x29: {  	[tilespmem:s23], [sflag:$0x1] =	stream.indirect.gather [hbm4b:s3+s12], $0x20, s22, s12, $0xb8;
	[tilespmem:$0x16E80] =	vst v63  }
0x2a: {  	s22 =	simm.s32 $0x500;
	s23 =	simm.s32 $0xAA00  }
0x2b: {  	[tilespmem:s23], [sflag:$0x1] =	stream.indirect.gather [hbm4b:s3+s12], $0x20, s22, s12, $0xb8;
	[tilespmem:$0x16E80] =	vst v63  }
0x2c: {  	s22 =	simm.s32 $0x580;
	s23 =	simm.s32 $0xBA00  }
0x2d: {  	[tilespmem:s23], [sflag:$0x1] =	stream.indirect.gather [hbm4b:s3+s12], $0x20, s22, s12, $0xb8;
	[tilespmem:$0x16E80] =	vst v63  }
0x2e: {  	s22 =	simm.s32 $0x600;
	s23 =	simm.s32 $0xCA00  }
0x2f: {  	[tilespmem:s23], [sflag:$0x1] =	stream.indirect.gather [hbm4b:s3+s12], $0x20, s22, s12, $0xb8;
	[tilespmem:$0x16E80] =	vst v63  }
0x30: {  	s22 =	simm.s32 $0x680;
	s23 =	simm.s32 $0xDA00  }
0x31: {  	[tilespmem:s23], [sflag:$0x1] =	stream.indirect.gather [hbm4b:s3+s12], $0x20, s22, s12, $0xb8;
	[tilespmem:$0x16E80] =	vst v63  }
0x32: {  	s22 =	simm.s32 $0x700;
	s23 =	simm.s32 $0xEA00  }
0x33: {  	[tilespmem:s23], [sflag:$0x1] =	stream.indirect.gather [hbm4b:s3+s12], $0x20, s22, s12, $0xb8;
	[tilespmem:$0x16E80] =	vst v63  }
0x34: {  	_ = 	snop  }
0x35: {  	[tilespmem:s25], [sflag:$0x1] =	stream.indirect.gather [hbm4b:s3+s12], $0x20, s24, s12, $0xb8;
	[tilespmem:$0x16E80] =	vst v63  }
0x36: {  	_ = 	snop  }
0x37: {  	[tilespmem:s28], [sflag:$0x1] =	stream.indirect.gather [hbm4b:s3+s12], $0x20, s26, s12, $0xb8;
	[tilespmem:$0x16E80] =	vst v63  }
0x38: {  	_ = 	snop  }
0x39: {  	[tilespmem:s30], [sflag:$0x1] =	stream.indirect.gather [hbm4b:s3+s12], $0x20, s29, s12, $0xb8;
	[tilespmem:$0x16E80] =	vst v63  }
0x3a: {  	_ = 	snop  }
0x3b: {  	[tilespmem:s0], [sflag:$0x1] =	stream.indirect.gather [hbm4b:s3+s12], $0x20, s31, s12, $0xb8;
	[tilespmem:$0x16E80] =	vst v63  }
0x3c: {  	_ = 	snop  }
0x3d: {  	[tilespmem:s13], [sflag:$0x1] =	stream.indirect.gather [hbm4b:s3+s12], $0x20, s1, s12, $0xb8;
	[tilespmem:$0x16E80] =	vst v63  }
0x3e: {  	_ =	swait.ge [sflag:s15], $0x1000  }
0x3f: {  	[sflag:s15] =	ssyncset.done $0x0  }
0x40: {  	[sflag:s15] =	ssyncadd.s32 $0xFFFFF000  }
0x41: {  	_ =	swait.ge [sflag:s15], $0x1000  }
0x42: {  	[sflag:s15] =	ssyncset.done $0x0  }
0x43: {  	[sflag:s15] =	ssyncadd.s32 $0xFFFFF000  }
0x44: {  	_ =	swait.ge [sflag:s15], $0x1000  }
0x45: {  	[sflag:s15] =	ssyncset.done $0x0  }
0x46: {  	[sflag:s15] =	ssyncadd.s32 $0xFFFFF000  }
0x47: {  	_ =	swait.ge [sflag:s15], $0x1000  }
0x48: {  	[sflag:s15] =	ssyncset.done $0x0  }
0x49: {  	[sflag:s15] =	ssyncadd.s32 $0xFFFFF000  }
0x4a: {  	_ =	swait.ge [sflag:s15], $0x1000  }
0x4b: {  	[sflag:s15] =	ssyncset.done $0x0  }
0x4c: {  	[sflag:s15] =	ssyncadd.s32 $0xFFFFF000  }
0x4d: {  	_ =	swait.ge [sflag:s15], $0x1000  }
0x4e: {  	[sflag:s15] =	ssyncset.done $0x0  }
0x4f: {  	[sflag:s15] =	ssyncadd.s32 $0xFFFFF000  }
0x50: {  	_ =	swait.ge [sflag:s15], $0x1000  }
0x51: {  	[sflag:s15] =	ssyncset.done $0x0  }
0x52: {  	[sflag:s15] =	ssyncadd.s32 $0xFFFFF000  }
0x53: {  	_ =	swait.ge [sflag:s15], $0x1000  }
0x54: {  	[sflag:s15] =	ssyncset.done $0x0  }
0x55: {  	[sflag:s15] =	ssyncadd.s32 $0xFFFFF000  }
0x56: {  	_ =	swait.ge [sflag:s15], $0x1000  }
0x57: {  	[sflag:s15] =	ssyncset.done $0x0  }
0x58: {  	[sflag:s15] =	ssyncadd.s32 $0xFFFFF000  }
0x59: {  	_ =	swait.ge [sflag:s15], $0x1000  }
0x5a: {  	[sflag:s15] =	ssyncset.done $0x0  }
0x5b: {  	[sflag:s15] =	ssyncadd.s32 $0xFFFFF000  }
0x5c: {  	_ =	swait.ge [sflag:s15], $0x1000  }
0x5d: {  	[sflag:s15] =	ssyncset.done $0x0  }
0x5e: {  	[sflag:s15] =	ssyncadd.s32 $0xFFFFF000  }
0x5f: {  	_ =	swait.ge [sflag:s15], $0x1000  }
0x60: {  	[sflag:s15] =	ssyncset.done $0x0  }
0x61: {  	[sflag:s15] =	ssyncadd.s32 $0xFFFFF000  }
0x62: {  	_ =	swait.ge [sflag:s15], $0x1000  }
0x63: {  	[sflag:s15] =	ssyncset.done $0x0  }
0x64: {  	[sflag:s15] =	ssyncadd.s32 $0xFFFFF000  }
0x65: {  	_ =	swait.ge [sflag:s15], $0x1000  }
0x66: {  	[sflag:s15] =	ssyncset.done $0x0  }
0x67: {  	[sflag:s15] =	ssyncadd.s32 $0xFFFFF000  }
0x68: {  	_ =	swait.ge [sflag:s15], $0x1000  }
0x69: {  	[sflag:s15] =	ssyncset.done $0x0  }
0x6a: {  	[sflag:s15] =	ssyncadd.s32 $0xFFFFF000  }
0x6b: {  	_ =	swait.ge [sflag:s15], $0x1000  }
0x6c: {  	[sflag:s15] =	ssyncset.done $0x0  }
0x6d: {  	[sflag:s15] =	ssyncadd.s32 $0xFFFFF000  }
0x6e: {  	_ =	swait.ge [sflag:s15], $0x1000  }
0x6f: {  	[sflag:s15] =	ssyncset.done $0x0  }
0x70: {  	[sflag:s15] =	ssyncadd.s32 $0xFFFFF000  }
0x71: {  	_ =	swait.ge [sflag:s15], $0x1000  }
0x72: {  	[sflag:s15] =	ssyncset.done $0x0  }
0x73: {  	[sflag:s15] =	ssyncadd.s32 $0xFFFFF000  }
0x74: {  	_ =	swait.ge [sflag:s15], $0x1000  }
0x75: {  	[sflag:s15] =	ssyncset.done $0x0  }
0x76: {  	[sflag:s15] =	ssyncadd.s32 $0xFFFFF000  }
0x77: {  	_ =	swait.ge [sflag:s15], $0x1000  }
0x78: {  	[sflag:s15] =	ssyncset.done $0x0  }
0x79: {  	s21 =	simm.s32 $0x0;
	[sflag:s15] =	ssyncadd.s32 $0xFFFFF000  }
0x7a: {  	v0 =	vld [tilespmem:s21+$0xA10]  }
0x7b: {  	v1 =	vld [tilespmem:s21+$0xA00]  }
0x7c: {  	v2 =	vld [tilespmem:s21+$0x1A10]  }
0x7d: {  	v3 =	vld [tilespmem:s21+$0x1A00]  }
0x7e: {  	v4 =	vld [tilespmem:s21+$0x2A10]  }
0x7f: {  	v5 =	vld [tilespmem:s21+$0x2A00];
	v0 =	vadd.f32 $0.0e+00, v0  }
0x80: {  	v6 =	vld [tilespmem:s21+$0x3A10];
	v1 =	vadd.f32 $0.0e+00, v1  }
0x81: {  	v0 =	vadd.f32 v2, v0;
	v2 =	vld [tilespmem:s21+$0x3A00]  }
0x82: {  	v7 =	vld [tilespmem:s21+$0x4A10];
	v1 =	vadd.f32 v3, v1  }
0x83: {  	v3 =	vld [tilespmem:s21+$0x4A00];
	v0 =	vadd.f32 v4, v0  }
0x84: {  	v4 =	vld [tilespmem:s21+$0x5A10];
	v1 =	vadd.f32 v5, v1  }
0x85: {  	v5 =	vld [tilespmem:s21+$0x5A00];
	v0 =	vadd.f32 v6, v0  }
0x86: {  	v6 =	vld [tilespmem:s21+$0x6A10];
	v1 =	vadd.f32 v2, v1  }
0x87: {  	v2 =	vld [tilespmem:s21+$0x6A00];
	v0 =	vadd.f32 v7, v0  }
0x88: {  	v7 =	vld [tilespmem:s21+$0x7A10];
	v1 =	vadd.f32 v3, v1  }
0x89: {  	v3 =	vld [tilespmem:s21+$0x7A00];
	v0 =	vadd.f32 v4, v0  }
0x8a: {  	v4 =	vld [tilespmem:s21+$0x8A10];
	v1 =	vadd.f32 v5, v1  }
0x8b: {  	v5 =	vld [tilespmem:s21+$0x8A00];
	v0 =	vadd.f32 v6, v0  }
0x8c: {  	v6 =	vld [tilespmem:s21+$0x9A10];
	v1 =	vadd.f32 v2, v1  }
0x8d: {  	v2 =	vld [tilespmem:s21+$0x9A00];
	v0 =	vadd.f32 v7, v0  }
0x8e: {  	v7 =	vld [tilespmem:s21+$0xAA10];
	v1 =	vadd.f32 v3, v1  }
0x8f: {  	v3 =	vld [tilespmem:s21+$0xAA00];
	v0 =	vadd.f32 v4, v0  }
0x90: {  	v4 =	vld [tilespmem:s21+$0xBA10];
	v1 =	vadd.f32 v5, v1  }
0x91: {  	v5 =	vld [tilespmem:s21+$0xBA00];
	v0 =	vadd.f32 v6, v0  }
0x92: {  	v6 =	vld [tilespmem:s21+$0xCA10];
	v1 =	vadd.f32 v2, v1  }
0x93: {  	v2 =	vld [tilespmem:s21+$0xCA00];
	v0 =	vadd.f32 v7, v0  }
0x94: {  	v7 =	vld [tilespmem:s21+$0xDA10];
	v1 =	vadd.f32 v3, v1  }
0x95: {  	v3 =	vld [tilespmem:s21+$0xDA00];
	v0 =	vadd.f32 v4, v0  }
0x96: {  	v4 =	vld [tilespmem:s21+$0xEA10];
	v1 =	vadd.f32 v5, v1  }
0x97: {  	v5 =	vld [tilespmem:s21+$0xEA00];
	v0 =	vadd.f32 v6, v0  }
0x98: {  	v6 =	vld [tilespmem:s21+$0xFA10];
	v1 =	vadd.f32 v2, v1  }
0x99: {  	v2 =	vld [tilespmem:s21+$0xFA00];
	v0 =	vadd.f32 v7, v0  }
0x9a: {  	v7 =	vld [tilespmem:s21+$0x10A10];
	v1 =	vadd.f32 v3, v1  }
0x9b: {  	v0 =	vadd.f32 v4, v0;
	v4 =	vld [tilespmem:s21+$0x10A00]  }
0x9c: {  	v8 =	vld [tilespmem:s21+$0x11A10];
	v3 =	vadd.f32 v5, v1  }
0x9d: {  	v5 =	vadd.f32 v6, v0;
	v0 =	vld [tilespmem:s21+$0x11A00]  }
0x9e: {  	v1 =	vld [tilespmem:s21+$0x12A10];
	v6 =	vadd.f32 v2, v3  }
0x9f: {  	v2 =	vld [tilespmem:s21+$0x12A00];
	v7 =	vadd.f32 v7, v5  }
0xa0: {  	v3 =	vld [tilespmem:s21+$0x13A10];
	v5 =	vadd.f32 v4, v6  }
0xa1: {  	s23 =	simm.s32 $0x20;
	s22 =	simm.s32 $0x100;
	v4 =	vld [tilespmem:s21+$0x13A00];
	v6 =	vadd.f32 v8, v7  }
.LBB2_2:
0xa2: {  	p0 =	sne.s32 s22, $0x3F80;
	v7 =	vld [tilespmem:s23+$0xA10];
	v0 =	vadd.f32 v0, v5  }
0xa3: {  	v5 =	vld [tilespmem:s23+$0xA00];
	v1 =	vadd.f32 v1, v6  }
0xa4: {  	v6 =	vld [tilespmem:s23+$0x1A10];
	v0 =	vadd.f32 v2, v0  }
0xa5: {  	v2 =	vld [tilespmem:s23+$0x1A00];
	v1 =	vadd.f32 v3, v1  }
0xa6: {  	v3 =	vld [tilespmem:s23+$0x2A10];
	v0 =	vadd.f32 v4, v0  }
0xa7: {  	v4 =	vadd.f32 $0.0e+00, v7;
	v7 =	vld [tilespmem:s23+$0x2A00];
	[tilespmem:s21+$0x14A10] =	vst v1  }
0xa8: {  	v1 =	vadd.f32 $0.0e+00, v5;
	v5 =	vld [tilespmem:s23+$0x3A10];
	[tilespmem:s21+$0x14A00] =	vst v0;
	s21 =	smov.u32 s23  }
0xa9: {  	v0 =	vadd.f32 v6, v4;
	v4 =	vld [tilespmem:s21+$0x3A00]  }
0xaa: {  	v1 =	vadd.f32 v2, v1;
	v2 =	vld [tilespmem:s21+$0x4A10]  }
0xab: {  	v0 =	vadd.f32 v3, v0;
	v3 =	vld [tilespmem:s21+$0x4A00]  }
0xac: {  	v1 =	vadd.f32 v7, v1;
	v6 =	vld [tilespmem:s21+$0x5A10]  }
0xad: {  	v0 =	vadd.f32 v5, v0;
	v5 =	vld [tilespmem:s21+$0x5A00]  }
0xae: {  	v1 =	vadd.f32 v4, v1;
	v4 =	vld [tilespmem:s21+$0x6A10]  }
0xaf: {  	v0 =	vadd.f32 v2, v0;
	v2 =	vld [tilespmem:s21+$0x6A00]  }
0xb0: {  	v1 =	vadd.f32 v3, v1;
	v3 =	vld [tilespmem:s21+$0x7A10]  }
0xb1: {  	v0 =	vadd.f32 v6, v0;
	v6 =	vld [tilespmem:s21+$0x7A00]  }
0xb2: {  	v1 =	vadd.f32 v5, v1;
	v5 =	vld [tilespmem:s21+$0x8A10]  }
0xb3: {  	v0 =	vadd.f32 v4, v0;
	v4 =	vld [tilespmem:s21+$0x8A00]  }
0xb4: {  	v1 =	vadd.f32 v2, v1;
	v2 =	vld [tilespmem:s21+$0x9A10]  }
0xb5: {  	v0 =	vadd.f32 v3, v0;
	v3 =	vld [tilespmem:s21+$0x9A00]  }
0xb6: {  	v1 =	vadd.f32 v6, v1;
	v6 =	vld [tilespmem:s21+$0xAA10]  }
0xb7: {  	v0 =	vadd.f32 v5, v0;
	v5 =	vld [tilespmem:s21+$0xAA00]  }
0xb8: {  	v1 =	vadd.f32 v4, v1;
	v4 =	vld [tilespmem:s21+$0xBA10]  }
0xb9: {  	v0 =	vadd.f32 v2, v0;
	v2 =	vld [tilespmem:s21+$0xBA00]  }
0xba: {  	v1 =	vadd.f32 v3, v1;
	v3 =	vld [tilespmem:s21+$0xCA10]  }
0xbb: {  	v0 =	vadd.f32 v6, v0;
	v6 =	vld [tilespmem:s21+$0xCA00]  }
0xbc: {  	v1 =	vadd.f32 v5, v1;
	v5 =	vld [tilespmem:s21+$0xDA10]  }
0xbd: {  	v0 =	vadd.f32 v4, v0;
	v4 =	vld [tilespmem:s21+$0xDA00]  }
0xbe: {  	v1 =	vadd.f32 v2, v1;
	v2 =	vld [tilespmem:s21+$0xEA10]  }
0xbf: {  	v0 =	vadd.f32 v3, v0;
	v3 =	vld [tilespmem:s21+$0xEA00]  }
0xc0: {  	v1 =	vadd.f32 v6, v1;
	v6 =	vld [tilespmem:s21+$0xFA10]  }
0xc1: {  	v0 =	vadd.f32 v5, v0;
	v5 =	vld [tilespmem:s21+$0xFA00]  }
0xc2: {  	v1 =	vadd.f32 v4, v1;
	v4 =	vld [tilespmem:s21+$0x10A10]  }
0xc3: {  	v0 =	vadd.f32 v2, v0;
	v7 =	vld [tilespmem:s21+$0x10A00]  }
0xc4: {  	v1 =	vadd.f32 v3, v1;
	v8 =	vld [tilespmem:s21+$0x11A10]  }
.Ltmp0:
0xc5: {  	v2 =	vadd.f32 v6, v0;
	v0 =	vld [tilespmem:s21+$0x11A00];
	(pc) =	sbr.rel @p0 .LBB2_2-.Ltmp0, $4  }
0xc6: {  	v3 =	vadd.f32 v5, v1;
	v1 =	vld [tilespmem:s21+$0x12A10]  }
0xc7: {  	v4 =	vadd.f32 v4, v2;
	v2 =	vld [tilespmem:s21+$0x12A00]  }
0xc8: {  	v5 =	vadd.f32 v7, v3;
	v3 =	vld [tilespmem:s21+$0x13A10]  }
0xc9: {  	s23 =	sshra.s32 s22, $0x2;
	s22 =	sadd.s32 $0x80, s22;
	v6 =	vadd.f32 v8, v4;
	v4 =	vld [tilespmem:s21+$0x13A00]  }
0xca: {  	v7 =	vld [tilespmem:s23+$0xA10];
	v0 =	vadd.f32 v0, v5  }
0xcb: {  	v8 =	vld [tilespmem:s23+$0xA00];
	v1 =	vadd.f32 v1, v6  }
0xcc: {  	v22 =	vld [tilespmem:s23+$0x1A10];
	v0 =	vadd.f32 v2, v0  }
0xcd: {  	v23 =	vld [tilespmem:s23+$0x1A00];
	v1 =	vadd.f32 v3, v1  }
0xce: {  	v24 =	vld [tilespmem:s23+$0x2A10];
	v0 =	vadd.f32 v4, v0  }
0xcf: {  	v25 =	vld [tilespmem:s23+$0x2A00];
	[tilespmem:s21+$0x14A10] =	vst v1;
	v26 =	vadd.f32 $0.0e+00, v7  }
0xd0: {  	v28 =	vadd.f32 $0.0e+00, v8;
	v27 =	vld [tilespmem:s23+$0x3A10];
	[tilespmem:s21+$0x14A00] =	vst v0  }
0xd1: {  	v29 =	vadd.f32 v22, v26;
	v30 =	vld [tilespmem:s23+$0x3A00]  }
0xd2: {  	v31 =	vadd.f32 v23, v28;
	v32 =	vld [tilespmem:s23+$0x4A10]  }
0xd3: {  	v33 =	vld [tilespmem:s23+$0x4A00];
	v0 =	vadd.f32 v24, v29  }
0xd4: {  	v34 =	vld [tilespmem:s23+$0x5A10];
	v3 =	vadd.f32 v25, v31  }
0xd5: {  	v35 =	vld [tilespmem:s23+$0x5A00];
	v0 =	vadd.f32 v27, v0  }
0xd6: {  	v36 =	vld [tilespmem:s23+$0x6A10];
	v1 =	vadd.f32 v30, v3  }
0xd7: {  	v37 =	vld [tilespmem:s23+$0x6A00];
	v0 =	vadd.f32 v32, v0  }
0xd8: {  	v38 =	vld [tilespmem:s23+$0x7A10];
	v1 =	vadd.f32 v33, v1  }
0xd9: {  	v39 =	vld [tilespmem:s23+$0x7A00];
	v0 =	vadd.f32 v34, v0  }
0xda: {  	v40 =	vld [tilespmem:s23+$0x8A10];
	v1 =	vadd.f32 v35, v1  }
0xdb: {  	v41 =	vld [tilespmem:s23+$0x8A00];
	v0 =	vadd.f32 v36, v0  }
0xdc: {  	v42 =	vld [tilespmem:s23+$0x9A10];
	v1 =	vadd.f32 v37, v1  }
0xdd: {  	v43 =	vld [tilespmem:s23+$0x9A00];
	v0 =	vadd.f32 v38, v0  }
0xde: {  	v44 =	vld [tilespmem:s23+$0xAA10];
	v1 =	vadd.f32 v39, v1  }
0xdf: {  	v45 =	vld [tilespmem:s23+$0xAA00];
	v0 =	vadd.f32 v40, v0  }
0xe0: {  	v46 =	vld [tilespmem:s23+$0xBA10];
	v1 =	vadd.f32 v41, v1  }
0xe1: {  	v47 =	vld [tilespmem:s23+$0xBA00];
	v0 =	vadd.f32 v42, v0  }
0xe2: {  	v48 =	vld [tilespmem:s23+$0xCA10];
	v1 =	vadd.f32 v43, v1  }
0xe3: {  	v49 =	vld [tilespmem:s23+$0xCA00];
	v0 =	vadd.f32 v44, v0  }
0xe4: {  	v50 =	vld [tilespmem:s23+$0xDA10];
	v1 =	vadd.f32 v45, v1  }
0xe5: {  	v51 =	vld [tilespmem:s23+$0xDA00];
	v0 =	vadd.f32 v46, v0  }
0xe6: {  	v52 =	vld [tilespmem:s23+$0xEA10];
	v1 =	vadd.f32 v47, v1  }
0xe7: {  	v53 =	vld [tilespmem:s23+$0xEA00];
	v0 =	vadd.f32 v48, v0  }
0xe8: {  	v54 =	vld [tilespmem:s23+$0xFA10];
	v1 =	vadd.f32 v49, v1  }
0xe9: {  	v55 =	vld [tilespmem:s23+$0xFA00];
	v0 =	vadd.f32 v50, v0  }
0xea: {  	v56 =	vld [tilespmem:s23+$0x10A10];
	v1 =	vadd.f32 v51, v1  }
0xeb: {  	v57 =	vld [tilespmem:s23+$0x10A00];
	v0 =	vadd.f32 v52, v0  }
0xec: {  	v58 =	vld [tilespmem:s23+$0x11A10];
	v1 =	vadd.f32 v53, v1  }
0xed: {  	v59 =	vld [tilespmem:s23+$0x11A00];
	v0 =	vadd.f32 v54, v0  }
0xee: {  	v60 =	vld [tilespmem:s23+$0x12A10];
	v1 =	vadd.f32 v55, v1  }
0xef: {  	v61 =	vld [tilespmem:s23+$0x12A00];
	v0 =	vadd.f32 v56, v0  }
0xf0: {  	v62 =	vld [tilespmem:s23+$0x13A10];
	v1 =	vadd.f32 v57, v1  }
0xf1: {  	v63 =	vld [tilespmem:s23+$0x13A00];
	v0 =	vadd.f32 v58, v0  }
0xf2: {  	v1 =	vadd.f32 v59, v1  }
0xf3: {  	v0 =	vadd.f32 v60, v0  }
0xf4: {  	v1 =	vadd.f32 v61, v1  }
0xf5: {  	v0 =	vadd.f32 v62, v0  }
0xf6: {  	v1 =	vadd.f32 v63, v1  }
0xf7: {  	[tilespmem:s23+$0x14A10] =	vst v0  }
0xf8: {  	[tilespmem:s23+$0x14A00] =	vst v1  }
0xf9: {  	[hbm4b:s7+s2] =	stream.linear.scatter [tilespmem:s16], [sflag:$0x2], $0x1000, $0x38;
	[tilespmem:$0x16E80] =	vst v63  }
0xfa: {  	_ =	swait.ge [sflag:s14], $0x1000  }
0xfb: {  	[sflag:s14] =	ssyncset.done $0x0  }
0xfc: {  	[sflag:s14] =	ssyncadd.s32 $0xFFFFF000  }
0xfd: {  	[tilespmem:s17], [sflag:$0x2] =	stream.linear.gather [hbm4b:s8+s2], $0x80, $0x38;
	[tilespmem:$0x16E80] =	vst v63  }
0xfe: {  	_ =	swait.ge [sflag:s14], $0x80  }
0xff: {  	[sflag:s14] =	ssyncset.done $0x0  }
0x100: {  	[sflag:s14] =	ssyncadd.s32 $0xFFFFFF80  }
0x101: {  	[tilespmem:s18], [sflag:$0x1] =	stream.indirect.gather [hbm4b:s4+s12], $0x20, s17, s12, $0xb8;
	[tilespmem:$0x16E80] =	vst v63  }
0x102: {  	_ =	swait.ge [sflag:s15], $0x1000  }
0x103: {  	[sflag:s15] =	ssyncset.done $0x0  }
0x104: {  	[sflag:s15] =	ssyncadd.s32 $0xFFFFF000  }
0x105: {  	[tilespmem:s19], [sflag:$0x1] =	stream.indirect.gather [hbm4b:s5+s12], $0x1, s17, s12, $0xb8;
	[tilespmem:$0x16E80] =	vst v63  }
0x106: {  	_ =	swait.ge [sflag:s15], $0x80  }
0x107: {  	[sflag:s15] =	ssyncset.done $0x0  }
0x108: {  	[sflag:s15] =	ssyncadd.s32 $0xFFFFFF80  }
0x109: {  	[hbm4b:s9+s2] =	stream.linear.scatter [tilespmem:s18], [sflag:$0x2], $0x1000, $0x38;
	[tilespmem:$0x16E80] =	vst v63  }
0x10a: {  	s20 =	sadd.s32 $0x1, s20;
	_ =	swait.ge [sflag:s14], $0x1000  }
0x10b: {  	p0 =	sne.s32 s20, s11;
	[sflag:s14] =	ssyncset.done $0x0  }
.Ltmp1:
0x10c: {  	[sflag:s14] =	ssyncadd.s32 $0xFFFFF000;
	(pc) =	sbr.rel @p0 .LBB2_1-.Ltmp1, $4  }
0x10d: {  	[hbm4b:s10+s2] =	stream.linear.scatter [tilespmem:s19], [sflag:$0x2], $0x400, $0x38;
	[tilespmem:$0x16E80] =	vst v63  }
0x10e: {  	_ =	swait.ge [sflag:s14], $0x400  }
0x10f: {  	[sflag:s14] =	ssyncset.done $0x0  }
0x110: {  	[sflag:s14] =	ssyncadd.s32 $0xFFFFFC00  }
0x111: {  	_ =	sfence.sel $0x180000  }
0x112: {  	[bflag:$0x0] =	sbarrier.arrive $0xFFFF  }
0x113: {  	_ =	strace $0x90000047  }
0x114: {  	s0 =	stileid.u32;
	[bflag:$0x2] =	sbarrier.arrive $0xFFFF  }
0x115: {  	p0 =	sne.s32 s0, $0x0;
	s0 =	rddreg [dreg:$0x2]  }
0x116: {  	s0 =	sadd.s32 @!p0 $0x100000, s0  }
0x117: {  	[sflag:s0] =	ssyncadd.tile.s32 @!p0 $0x1;
	_ =	shalt  }
.Lfunc_end2:
_tile_overlayer_lowered:
.L_overlay_start_2:
0x118: {  	(tag) =	ssettag $0x2  }
0x119: {  	s0 =	rddreg [dreg:$0x0];
	s2 =	stileid.u32  }
0x11a: {  	s1 =	rddreg [dreg:$0x1];
	p0 =	sne.s32 s2, $0x0  }
0x11b: {  	s3 =	rddreg [dreg:$0x2];
	[bflag:$0x3] =	sbarrier.arrive $0xFFFF;
	s2 =	simm.s32 @!p0 $0x1C02  }
0x11c: {  	[timem:s3], [sflag:s2] =	dma.local @!p0 [hbm:s0], s1  }
0x11d: {  	s0 =	simm.s32 @!p0 $0x2  }
0x11e: {  	_ =	swait.ge @!p0 [sflag:s0], s1  }
0x11f: {  	s1 =	ssub.s32 @!p0 $0x0, s1;
	[sflag:s0] =	ssyncset.done @!p0 $0x0  }
0x120: {  	[sflag:s0] =	ssyncadd.s32 @!p0 s1  }
0x121: {  	[bflag:$0x3] =	sbarrier.arrive $0xFFFF  }
0x122: {  	_ =	shalt  }

</sc_bundles>
